<compile_context>
chip_gen: v7x
topology: tpu7x:2x2x1
jax: 0.10.2.dev20260603
libtpu: 0.0.44.dev20260713+nightly
codegen_flags: <defaults>
</compile_context>

<pallas_src>
import functools

import jax
import jax.numpy as jnp
from jax import lax
from jax.experimental import pallas as pl
from jax.experimental.pallas import tpu as pltpu
from jax.experimental.pallas import tpu_sc as plsc

_N = 1000
_D = 1024
_R = 16
_TOPK = 50
_KPAD = 64
_BETA2 = 0.04
_TAU = 0.01
_SCALING = 2.0
_KSMALL = 4


def _routing_math(q, C):
    qnorm = jnp.sqrt(jnp.sum(q * q)) + 1e-9
    ones = jnp.ones((1, _D), jnp.float32)
    dn = (((1,), (1,)), ((), ()))
    dots = lax.dot_general(q, C, dn, preferred_element_type=jnp.float32)
    cn2 = lax.dot_general(ones, C * C, dn, preferred_element_type=jnp.float32)
    cnorm = jnp.sqrt(cn2) + 1e-9
    sim = dots / (qnorm * cnorm * _BETA2)
    m0 = jnp.max(sim)
    e = jnp.exp(sim - m0)
    probs = e / jnp.sum(e)
    probs = jnp.where(probs >= _TAU, probs, 0.0)

    cnt = jnp.minimum(jnp.sum(jnp.where(probs >= _TAU, 1, 0)), _TOPK)

    probs_p = jnp.concatenate([probs, jnp.full((1, 24), -1.0, jnp.float32)], axis=1)
    P8 = jnp.concatenate([probs_p[:, i * 128:(i + 1) * 128] for i in range(8)], axis=0)
    fi = (lax.broadcasted_iota(jnp.int32, (8, 128), 0) * 128
          + lax.broadcasted_iota(jnp.int32, (8, 128), 1))
    l64 = lax.broadcasted_iota(jnp.int32, (1, 64), 1)
    col_t = lax.broadcasted_iota(jnp.int32, (64, 1), 0)

    def body(t, carry):
        P, wcol, irow, den = carry
        m = jnp.max(P, axis=(0, 1), keepdims=True)
        am = jnp.min(jnp.where(P == m, fi, jnp.int32(1 << 30)),
                     axis=(0, 1), keepdims=True)
        den = den + m
        wcol = wcol + jnp.where(col_t == t, m, 0.0)
        irow = irow + jnp.where(l64 == t, am, 0)
        P = jnp.where(fi == am, -1.0, P)
        return P, wcol, irow, den

    init = (P8,
            jnp.zeros((64, 1), jnp.float32),
            jnp.zeros((1, 64), jnp.int32),
            jnp.zeros((1, 1), jnp.float32))
    _, wcol, irow, den = lax.fori_loop(0, cnt, body, init)

    h_row = lax.broadcasted_iota(jnp.int32, (_KPAD * _R, 64), 0) // _R
    h_col = lax.broadcasted_iota(jnp.int32, (_KPAD * _R, 64), 1)
    H = jnp.where(h_row == h_col, 1.0, 0.0)
    wsc = wcol / (den + 1e-9) * _SCALING
    wfull = lax.dot_general(H, wsc, (((1,), (0,)), ((), ())),
                            preferred_element_type=jnp.float32)

    i_row = lax.broadcasted_iota(jnp.int32, (8, 64), 0)
    i_col = lax.broadcasted_iota(jnp.int32, (8, 64), 1)
    IR = jnp.where(i_col // 8 == i_row, 1.0, 0.0) * irow.astype(jnp.float32)
    s_row = lax.broadcasted_iota(jnp.int32, (64, 128), 0)
    s_col = lax.broadcasted_iota(jnp.int32, (64, 128), 1)
    S = jnp.where(s_row % 8 == s_col // _R, 1.0, 0.0)
    irep8 = lax.dot_general(IR, S, (((1,), (0,)), ((), ())),
                            preferred_element_type=jnp.float32)
    lane_r = lax.broadcasted_iota(jnp.int32, (8, 128), 1) % _R
    ria8 = irep8.astype(jnp.int32) * _R + lane_r
    return wfull, irow, cnt, ria8


def _fused_body(q_ref, c_ref, a2d_ref, b2d_ref, base_ref,
                o_ref, w_ref, ria_ref, cnt_ref,
                ag_s, bg_s, sem):
    wfull, irow, cnt, ria8 = _routing_math(q_ref[...], c_ref[...])
    w_ref[...] = wfull
    ria_ref[...] = ria8
    cnt_ref[...] = jnp.zeros((1, 128), jnp.int32) + cnt

    copies = []
    for s in range(_KSMALL):
        cid = irow[0, s]
        copies.append(pltpu.make_async_copy(
            a2d_ref.at[pl.ds(cid * _R, _R)], ag_s.at[pl.ds(s * _R, _R)], sem))
        copies.append(pltpu.make_async_copy(
            b2d_ref.at[pl.ds(cid * _R, _R)], bg_s.at[pl.ds(s * _R, _R)], sem))
    for cp in copies:
        cp.start()
    for cp in copies:
        cp.wait()

    krow = lax.broadcasted_iota(jnp.int32, (_KSMALL * _R, 1), 0)
    live = krow < cnt * _R
    wsmall = wfull[0:_KSMALL * _R, :]
    scaled = jnp.where(live, bg_s[...] * wsmall, 0.0)
    amask = jnp.where(live, ag_s[...], 0.0)
    dn = (((0,), (0,)), ((), ()))
    o_ref[...] = base_ref[...] + lax.dot_general(
        scaled, amask, dn, preferred_element_type=jnp.float32)


_fused = pl.pallas_call(
    _fused_body,
    in_specs=[
        pl.BlockSpec((1, _D), lambda: (0, 0)),
        pl.BlockSpec((_N, _D), lambda: (0, 0)),
        pl.BlockSpec(memory_space=pl.ANY),
        pl.BlockSpec(memory_space=pl.ANY),
        pl.BlockSpec((_D, _D), lambda: (0, 0)),
    ],
    out_specs=[
        pl.BlockSpec((_D, _D), lambda: (0, 0)),
        pl.BlockSpec((_KPAD * _R, 1), lambda: (0, 0)),
        pl.BlockSpec((8, 128), lambda: (0, 0)),
        pl.BlockSpec((1, 128), lambda: (0, 0)),
    ],
    out_shape=[
        jax.ShapeDtypeStruct((_D, _D), jnp.float32),
        jax.ShapeDtypeStruct((_KPAD * _R, 1), jnp.float32),
        jax.ShapeDtypeStruct((8, 128), jnp.int32),
        jax.ShapeDtypeStruct((1, 128), jnp.int32),
    ],
    scratch_shapes=[
        pltpu.VMEM((_KSMALL * _R, _D), jnp.float32),
        pltpu.VMEM((_KSMALL * _R, _D), jnp.float32),
        pltpu.SemaphoreType.DMA,
    ],
)


_ROWS_PER_W = (_KPAD * _R) // 16
_RCHUNK = 32


@functools.cache
def _make_sc_gather():
    return pl.kernel(
        _sc_gather_body,
        mesh=plsc.VectorSubcoreMesh(core_axis_name="c", subcore_axis_name="s",
                                    num_cores=1),
        out_type=[
            jax.ShapeDtypeStruct((_KPAD * _R, _D), jnp.float32),
            jax.ShapeDtypeStruct((_KPAD * _R, _D), jnp.float32),
        ],
        scratch_types=[
            pltpu.VMEM((16,), jnp.int32),
            pltpu.VMEM((_RCHUNK,), jnp.int32),
            pltpu.VMEM((_RCHUNK, _D), jnp.float32),
            pltpu.VMEM((_RCHUNK, _D), jnp.float32),
            pltpu.SemaphoreType.DMA,
            pltpu.SemaphoreType.DMA,
        ],
    )


def _sc_gather_body(a2d, b2d, ria_hbm, cnt_hbm, a_out, b_out,
                    cv, ria_v, abuf, bbuf, asem, bsem):
    wid = lax.axis_index("s")
    pltpu.sync_copy(cnt_hbm.at[pl.ds(0, 16)], cv)
    cnt = cv[...][0]

    for u in range(_ROWS_PER_W // _RCHUNK):
        @pl.when((wid * 4 + u * 2) * _R < cnt * _R)
        def _():
            sl = pl.ds(wid * _ROWS_PER_W + u * _RCHUNK, _RCHUNK)
            pltpu.sync_copy(ria_hbm.at[sl], ria_v)
            a_copy = pltpu.make_async_copy(a2d.at[ria_v], abuf, asem)
            b_copy = pltpu.make_async_copy(b2d.at[ria_v], bbuf, bsem)
            a_copy.start()
            b_copy.start()
            a_copy.wait()
            pltpu.sync_copy(abuf, a_out.at[sl])
            b_copy.wait()
            pltpu.sync_copy(bbuf, b_out.at[sl])


_MBLK = 512


def _merge_body(ksize, b_ref, a_ref, w_ref, cnt_ref, base_ref, o_ref):
    cnt = cnt_ref[0, 0]
    krow = lax.broadcasted_iota(jnp.int32, (ksize, 1), 0)
    live = krow < cnt * _R
    scaled = jnp.where(live, b_ref[...] * w_ref[...], 0.0)
    amask = jnp.where(live, a_ref[...], 0.0)
    dn = (((0,), (0,)), ((), ()))
    o_ref[...] = base_ref[...] + lax.dot_general(
        scaled, amask, dn, preferred_element_type=jnp.float32)


def _make_merge(ksize):
    return pl.pallas_call(
        functools.partial(_merge_body, ksize),
        grid=(_D // _MBLK,),
        in_specs=[
            pl.BlockSpec((ksize, _MBLK), lambda i: (0, i)),
            pl.BlockSpec((ksize, _D), lambda i: (0, 0)),
            pl.BlockSpec((ksize, 1), lambda i: (0, 0)),
            pl.BlockSpec((1, 128), lambda i: (0, 0)),
            pl.BlockSpec((_MBLK, _D), lambda i: (i, 0)),
        ],
        out_specs=pl.BlockSpec((_MBLK, _D), lambda i: (i, 0)),
        out_shape=jax.ShapeDtypeStruct((_D, _D), jnp.float32),
    )


def kernel(q, corpus, A_all, B_all, W_base):
    a2d = A_all.reshape(_N * _R, _D)
    b2d = jnp.swapaxes(B_all, 1, 2).reshape(_N * _R, _D)
    out_small, wrow, ria8, cnt = _fused(q, corpus, a2d, b2d, W_base)

    def full_path():
        ag, bg = _make_sc_gather()(a2d, b2d, ria8.reshape(-1), cnt.reshape(-1))
        return _make_merge(_KPAD * _R)(bg, ag, wrow, cnt, W_base)

    return lax.cond(cnt[0, 0] <= _KSMALL, lambda: out_small, full_path)

# --- scband reference (transcript-rebuilt; emitter-appended) ---
"""Pipeline reference for scband-test-time-merging-model-6519760355474 (READ-ONLY COPY).

The authoritative reference and input builder live on the scoring server;
editing this copy changes nothing except your own understanding.
"""

import jax, jax.numpy as jnp
import numpy as np

N_CLUSTERS = 1000
D_EMB = 1024
D_MODEL = 1024
R = 16
TOPK = 50          # max_merge_count
BETA = 0.2         # sqrt of beta used in sparse cross attention
TAU = 0.01         # sparsity threshold
SCALING = 2.0      # lora_alpha / r


def setup_inputs(seed: int = 0) -> dict:
    key = jax.random.key(seed)
    k1, k2, k3, k4, k5 = jax.random.split(key, 5)
    q = jax.random.normal(k1, (1, D_EMB), dtype=jnp.float32)
    corpus = jax.random.normal(k2, (N_CLUSTERS, D_EMB), dtype=jnp.float32)
    A_all = jax.random.normal(k3, (N_CLUSTERS, R, D_MODEL), dtype=jnp.float32) * 0.02
    B_all = jax.random.normal(k4, (N_CLUSTERS, D_MODEL, R), dtype=jnp.float32) * 0.02
    W_base = jax.random.normal(k5, (D_MODEL, D_MODEL), dtype=jnp.float32) * 0.02
    return {"q": q, "corpus": corpus, "A_all": A_all, "B_all": B_all, "W_base": W_base}


def reference(q, corpus, A_all, B_all, W_base):
    # --- routing: sparse cross attention between query embedding and cluster corpus ---
    qn = q / (jnp.linalg.norm(q, axis=-1, keepdims=True) + 1e-9)
    cn = corpus / (jnp.linalg.norm(corpus, axis=-1, keepdims=True) + 1e-9)
    sim = (qn @ cn.T)[0] / (BETA ** 2)              # [n_clusters]
    probs = jax.nn.softmax(sim)
    probs = jnp.where(probs >= TAU, probs, 0.0)      # tau-sparsification
    vals, idx = jax.lax.top_k(probs, TOPK)           # select up to max_merge_count clusters
    weights = vals / (jnp.sum(vals) + 1e-9)          # renormalize merge weights
    # --- adapter gather (memory-bound): fetch selected LoRA adapters ---
    As = jnp.take(A_all, idx, axis=0)                # [k, r, in]
    Bs = jnp.take(B_all, idx, axis=0)                # [k, out, r]
    # weight * scaling applied to lora_A, as in _efficient_merge_adapters
    As = As * (weights * SCALING)[:, None, None]
    # delta = einsum('k i r, k r o -> i o', Bs, As)
    delta = jnp.einsum('kir,kro->io', Bs, As)        # [out, in]
    W_merged = W_base + delta                        # base_param.data.add_(delta)
    return W_merged

if __name__ == "__main__":
    import jax
    _d = setup_inputs()
    print(jax.jit(kernel)(*tuple(_d.values())))

</pallas_src>

<mosaic_0001>
#map = affine_map<(d0, d1) -> (0, 0)>
#map1 = affine_map<(d0, d1) -> (0)>
module attributes {stable_mosaic.version = 14 : i64} {
  func.func @_sc_gather_body(%arg0: i32, %arg1: i32, %arg2: memref<16000x1024xf32, #tpu.memory_space<hbm>>, %arg3: memref<16000x1024xf32, #tpu.memory_space<hbm>>, %arg4: memref<1024xi32, #tpu.memory_space<hbm>>, %arg5: memref<128xi32, #tpu.memory_space<hbm>>, %arg6: memref<1024x1024xf32, #tpu.memory_space<hbm>>, %arg7: memref<1024x1024xf32, #tpu.memory_space<hbm>>, %arg8: memref<16xi32, #tpu.memory_space<vmem>>, %arg9: memref<32xi32, #tpu.memory_space<vmem>>, %arg10: memref<32x1024xf32, #tpu.memory_space<vmem>>, %arg11: memref<32x1024xf32, #tpu.memory_space<vmem>>, %arg12: memref<!tpu.dma_semaphore, #tpu.memory_space<semaphore_mem>>, %arg13: memref<!tpu.dma_semaphore, #tpu.memory_space<semaphore_mem>>) attributes {dimension_semantics = [#tpu.dimension_semantics<core_parallel>, #tpu.dimension_semantics<subcore_parallel>], iteration_bounds = array<i64: 1, 16>, scalar_prefetch = 0 : i64, scratch_operands = 6 : i64, tpu.core_type = #tpu.core_type<sc_vector_subcore>, window_params = [{transform_indices = #map}, {transform_indices = #map}, {transform_indices = #map1}, {transform_indices = #map1}, {transform_indices = #map}, {transform_indices = #map}]} {
    "tpu.region"() ({
      %run_scoped3A = tpu.sem_alloc : memref<!tpu.dma_semaphore, #tpu.memory_space<semaphore_mem>>
      %dma_start3A = arith.constant 0 : i32
      %dma_start3A_21 = tpu.memref_slice %arg5[%dma_start3A] : memref<128xi32, #tpu.memory_space<hbm>> -> memref<16xi32, #tpu.memory_space<hbm>>
      %dma_start3A_22 = arith.constant 0 : i32
      %dma_start3A_23 = tpu.memref_slice %arg5[%dma_start3A_22] : memref<128xi32, #tpu.memory_space<hbm>> -> memref<16xi32, #tpu.memory_space<hbm>>
      tpu.enqueue_dma source(%dma_start3A_23 : memref<16xi32, #tpu.memory_space<hbm>>) target(%arg8 : memref<16xi32, #tpu.memory_space<vmem>>) target_semaphore(%run_scoped3A : memref<!tpu.dma_semaphore, #tpu.memory_space<semaphore_mem>>)
      %dma_wait3A = arith.constant 0 : i32
      %dma_wait3A_24 = tpu.memref_slice %arg5[%dma_wait3A] : memref<128xi32, #tpu.memory_space<hbm>> -> memref<16xi32, #tpu.memory_space<hbm>>
      %dma_wait3A_25 = arith.constant 0 : i32
      %dma_wait3A_26 = tpu.memref_slice %arg5[%dma_wait3A_25] : memref<128xi32, #tpu.memory_space<hbm>> -> memref<16xi32, #tpu.memory_space<hbm>>
      tpu.wait_dma2 semaphore(%run_scoped3A : memref<!tpu.dma_semaphore, #tpu.memory_space<semaphore_mem>>) src(%dma_wait3A_26 : memref<16xi32, #tpu.memory_space<hbm>>) dst(%arg8 : memref<16xi32, #tpu.memory_space<vmem>>)
      tpu.yield
    }) : () -> ()
    %get3A = arith.constant 0 : index
    %get3A_0 = tpu.vector_load %arg8[%get3A] {strides = array<i32>} : memref<16xi32, #tpu.memory_space<vmem>>, vector<16xi32>,
    %get3A_1 = vector.shape_cast %get3A_0 : vector<16xi32> to vector<16xi32>
    %slice3A = vector.extract_strided_slice %get3A_1 {offsets = [0], sizes = [1], strides = [1]} : vector<16xi32> to vector<1xi32>
    %squeeze3A = vector.extract %slice3A[0] : i32 from vector<1xi32>
    %mul3A = arith.constant 4 : i32
    %mul3A_2 = arith.muli %arg1, %mul3A : i32
    %add3A = arith.constant 0 : i32
    %add3A_3 = arith.addi %mul3A_2, %add3A : i32
    %mul3A_4 = arith.constant 16 : i32
    %mul3A_5 = arith.muli %add3A_3, %mul3A_4 : i32
    %mul3A_6 = arith.constant 16 : i32
    %mul3A_7 = arith.muli %squeeze3A, %mul3A_6 : i32
    %lt3A = arith.cmpi slt, %mul3A_5, %mul3A_7 : i32
    %convert_element_type3A = arith.extui %lt3A : i1 to i32
    %cond3A = arith.constant 0 : i32
    %cond3A_8 = arith.cmpi ne, %convert_element_type3A, %cond3A : i32
    scf.if %cond3A_8 {
      %mul3A_21 = arith.constant 64 : i32
      %mul3A_22 = arith.muli %arg1, %mul3A_21 : i32
      %add3A_23 = arith.constant 0 : i32
      %add3A_24 = arith.addi %mul3A_22, %add3A_23 : i32
      "tpu.region"() ({
        %run_scoped3A = tpu.sem_alloc : memref<!tpu.dma_semaphore, #tpu.memory_space<semaphore_mem>>
        %dma_start3A_35 = tpu.memref_slice %arg4[%add3A_24] : memref<1024xi32, #tpu.memory_space<hbm>> -> memref<32xi32, #tpu.memory_space<hbm>>
        %dma_start3A_36 = tpu.memref_slice %arg4[%add3A_24] : memref<1024xi32, #tpu.memory_space<hbm>> -> memref<32xi32, #tpu.memory_space<hbm>>
        tpu.enqueue_dma source(%dma_start3A_36 : memref<32xi32, #tpu.memory_space<hbm>>) target(%arg9 : memref<32xi32, #tpu.memory_space<vmem>>) target_semaphore(%run_scoped3A : memref<!tpu.dma_semaphore, #tpu.memory_space<semaphore_mem>>)
        %dma_wait3A_37 = tpu.memref_slice %arg4[%add3A_24] : memref<1024xi32, #tpu.memory_space<hbm>> -> memref<32xi32, #tpu.memory_space<hbm>>
        %dma_wait3A_38 = tpu.memref_slice %arg4[%add3A_24] : memref<1024xi32, #tpu.memory_space<hbm>> -> memref<32xi32, #tpu.memory_space<hbm>>
        tpu.wait_dma2 semaphore(%run_scoped3A : memref<!tpu.dma_semaphore, #tpu.memory_space<semaphore_mem>>) src(%dma_wait3A_38 : memref<32xi32, #tpu.memory_space<hbm>>) dst(%arg9 : memref<32xi32, #tpu.memory_space<vmem>>)
        tpu.yield
      }) : () -> ()
      %dma_start3A = arith.constant 0 : i32
      %dma_start3A_25 = arith.constant 0 : i32
      %dma_start3A_26 = tpu.memref_slice %arg2[%dma_start3A, %dma_start3A_25] : memref<16000x1024xf32, #tpu.memory_space<hbm>> -> memref<16000x1024xf32, #tpu.memory_space<hbm>>
      tpu.enqueue_indirect_dma source(%dma_start3A_26 : memref<16000x1024xf32, #tpu.memory_space<hbm>>) target(%arg10 : memref<32x1024xf32, #tpu.memory_space<vmem>>) offsets(%arg9 : memref<32xi32, #tpu.memory_space<vmem>>) semaphore(%arg12 : memref<!tpu.dma_semaphore, #tpu.memory_space<semaphore_mem>>)
      %dma_start3A_27 = arith.constant 0 : i32
      %dma_start3A_28 = arith.constant 0 : i32
      %dma_start3A_29 = tpu.memref_slice %arg3[%dma_start3A_27, %dma_start3A_28] : memref<16000x1024xf32, #tpu.memory_space<hbm>> -> memref<16000x1024xf32, #tpu.memory_space<hbm>>
      tpu.enqueue_indirect_dma source(%dma_start3A_29 : memref<16000x1024xf32, #tpu.memory_space<hbm>>) target(%arg11 : memref<32x1024xf32, #tpu.memory_space<vmem>>) offsets(%arg9 : memref<32xi32, #tpu.memory_space<vmem>>) semaphore(%arg13 : memref<!tpu.dma_semaphore, #tpu.memory_space<semaphore_mem>>)
      %dma_wait3A = arith.constant 0 : i32
      %dma_wait3A_30 = arith.constant 0 : i32
      %dma_wait3A_31 = tpu.memref_slice %arg2[%dma_wait3A, %dma_wait3A_30] : memref<16000x1024xf32, #tpu.memory_space<hbm>> -> memref<16000x1024xf32, #tpu.memory_space<hbm>>
      tpu.wait_indirect_dma semaphore(%arg12 : memref<!tpu.dma_semaphore, #tpu.memory_space<semaphore_mem>>) src(%dma_wait3A_31 : memref<16000x1024xf32, #tpu.memory_space<hbm>>) dst(%arg10 : memref<32x1024xf32, #tpu.memory_space<vmem>>)
      "tpu.region"() ({
        %run_scoped3A = tpu.sem_alloc : memref<!tpu.dma_semaphore, #tpu.memory_space<semaphore_mem>>
        %dma_start3A_35 = arith.constant 0 : i32
        %dma_start3A_36 = tpu.memref_slice %arg6[%add3A_24, %dma_start3A_35] : memref<1024x1024xf32, #tpu.memory_space<hbm>> -> memref<32x1024xf32, #tpu.memory_space<hbm>>
        %dma_start3A_37 = arith.constant 0 : i32
        %dma_start3A_38 = tpu.memref_slice %arg6[%add3A_24, %dma_start3A_37] : memref<1024x1024xf32, #tpu.memory_space<hbm>> -> memref<32x1024xf32, #tpu.memory_space<hbm>>
        tpu.enqueue_dma source(%arg10 : memref<32x1024xf32, #tpu.memory_space<vmem>>) target(%dma_start3A_38 : memref<32x1024xf32, #tpu.memory_space<hbm>>) target_semaphore(%run_scoped3A : memref<!tpu.dma_semaphore, #tpu.memory_space<semaphore_mem>>)
        %dma_wait3A_39 = arith.constant 0 : i32
        %dma_wait3A_40 = tpu.memref_slice %arg6[%add3A_24, %dma_wait3A_39] : memref<1024x1024xf32, #tpu.memory_space<hbm>> -> memref<32x1024xf32, #tpu.memory_space<hbm>>
        %dma_wait3A_41 = arith.constant 0 : i32
        %dma_wait3A_42 = tpu.memref_slice %arg6[%add3A_24, %dma_wait3A_41] : memref<1024x1024xf32, #tpu.memory_space<hbm>> -> memref<32x1024xf32, #tpu.memory_space<hbm>>
        tpu.wait_dma2 semaphore(%run_scoped3A : memref<!tpu.dma_semaphore, #tpu.memory_space<semaphore_mem>>) src(%arg10 : memref<32x1024xf32, #tpu.memory_space<vmem>>) dst(%dma_wait3A_42 : memref<32x1024xf32, #tpu.memory_space<hbm>>)
        tpu.yield
      }) : () -> ()
      %dma_wait3A_32 = arith.constant 0 : i32
      %dma_wait3A_33 = arith.constant 0 : i32
      %dma_wait3A_34 = tpu.memref_slice %arg3[%dma_wait3A_32, %dma_wait3A_33] : memref<16000x1024xf32, #tpu.memory_space<hbm>> -> memref<16000x1024xf32, #tpu.memory_space<hbm>>
      tpu.wait_indirect_dma semaphore(%arg13 : memref<!tpu.dma_semaphore, #tpu.memory_space<semaphore_mem>>) src(%dma_wait3A_34 : memref<16000x1024xf32, #tpu.memory_space<hbm>>) dst(%arg11 : memref<32x1024xf32, #tpu.memory_space<vmem>>)
      "tpu.region"() ({
        %run_scoped3A = tpu.sem_alloc : memref<!tpu.dma_semaphore, #tpu.memory_space<semaphore_mem>>
        %dma_start3A_35 = arith.constant 0 : i32
        %dma_start3A_36 = tpu.memref_slice %arg7[%add3A_24, %dma_start3A_35] : memref<1024x1024xf32, #tpu.memory_space<hbm>> -> memref<32x1024xf32, #tpu.memory_space<hbm>>
        %dma_start3A_37 = arith.constant 0 : i32
        %dma_start3A_38 = tpu.memref_slice %arg7[%add3A_24, %dma_start3A_37] : memref<1024x1024xf32, #tpu.memory_space<hbm>> -> memref<32x1024xf32, #tpu.memory_space<hbm>>
        tpu.enqueue_dma source(%arg11 : memref<32x1024xf32, #tpu.memory_space<vmem>>) target(%dma_start3A_38 : memref<32x1024xf32, #tpu.memory_space<hbm>>) target_semaphore(%run_scoped3A : memref<!tpu.dma_semaphore, #tpu.memory_space<semaphore_mem>>)
        %dma_wait3A_39 = arith.constant 0 : i32
        %dma_wait3A_40 = tpu.memref_slice %arg7[%add3A_24, %dma_wait3A_39] : memref<1024x1024xf32, #tpu.memory_space<hbm>> -> memref<32x1024xf32, #tpu.memory_space<hbm>>
        %dma_wait3A_41 = arith.constant 0 : i32
        %dma_wait3A_42 = tpu.memref_slice %arg7[%add3A_24, %dma_wait3A_41] : memref<1024x1024xf32, #tpu.memory_space<hbm>> -> memref<32x1024xf32, #tpu.memory_space<hbm>>
        tpu.wait_dma2 semaphore(%run_scoped3A : memref<!tpu.dma_semaphore, #tpu.memory_space<semaphore_mem>>) src(%arg11 : memref<32x1024xf32, #tpu.memory_space<vmem>>) dst(%dma_wait3A_42 : memref<32x1024xf32, #tpu.memory_space<hbm>>)
        tpu.yield
      }) : () -> ()
    } else {
    }
    %mul3A_9 = arith.constant 4 : i32
    %mul3A_10 = arith.muli %arg1, %mul3A_9 : i32
    %add3A_11 = arith.constant 2 : i32
    %add3A_12 = arith.addi %mul3A_10, %add3A_11 : i32
    %mul3A_13 = arith.constant 16 : i32
    %mul3A_14 = arith.muli %add3A_12, %mul3A_13 : i32
    %mul3A_15 = arith.constant 16 : i32
    %mul3A_16 = arith.muli %squeeze3A, %mul3A_15 : i32
    %lt3A_17 = arith.cmpi slt, %mul3A_14, %mul3A_16 : i32
    %convert_element_type3A_18 = arith.extui %lt3A_17 : i1 to i32
    %cond3A_19 = arith.constant 0 : i32
    %cond3A_20 = arith.cmpi ne, %convert_element_type3A_18, %cond3A_19 : i32
    scf.if %cond3A_20 {
      %mul3A_21 = arith.constant 64 : i32
      %mul3A_22 = arith.muli %arg1, %mul3A_21 : i32
      %add3A_23 = arith.constant 32 : i32
      %add3A_24 = arith.addi %mul3A_22, %add3A_23 : i32
      "tpu.region"() ({
        %run_scoped3A = tpu.sem_alloc : memref<!tpu.dma_semaphore, #tpu.memory_space<semaphore_mem>>
        %dma_start3A_35 = tpu.memref_slice %arg4[%add3A_24] : memref<1024xi32, #tpu.memory_space<hbm>> -> memref<32xi32, #tpu.memory_space<hbm>>
        %dma_start3A_36 = tpu.memref_slice %arg4[%add3A_24] : memref<1024xi32, #tpu.memory_space<hbm>> -> memref<32xi32, #tpu.memory_space<hbm>>
        tpu.enqueue_dma source(%dma_start3A_36 : memref<32xi32, #tpu.memory_space<hbm>>) target(%arg9 : memref<32xi32, #tpu.memory_space<vmem>>) target_semaphore(%run_scoped3A : memref<!tpu.dma_semaphore, #tpu.memory_space<semaphore_mem>>)
        %dma_wait3A_37 = tpu.memref_slice %arg4[%add3A_24] : memref<1024xi32, #tpu.memory_space<hbm>> -> memref<32xi32, #tpu.memory_space<hbm>>
        %dma_wait3A_38 = tpu.memref_slice %arg4[%add3A_24] : memref<1024xi32, #tpu.memory_space<hbm>> -> memref<32xi32, #tpu.memory_space<hbm>>
        tpu.wait_dma2 semaphore(%run_scoped3A : memref<!tpu.dma_semaphore, #tpu.memory_space<semaphore_mem>>) src(%dma_wait3A_38 : memref<32xi32, #tpu.memory_space<hbm>>) dst(%arg9 : memref<32xi32, #tpu.memory_space<vmem>>)
        tpu.yield
      }) : () -> ()
      %dma_start3A = arith.constant 0 : i32
      %dma_start3A_25 = arith.constant 0 : i32
      %dma_start3A_26 = tpu.memref_slice %arg2[%dma_start3A, %dma_start3A_25] : memref<16000x1024xf32, #tpu.memory_space<hbm>> -> memref<16000x1024xf32, #tpu.memory_space<hbm>>
      tpu.enqueue_indirect_dma source(%dma_start3A_26 : memref<16000x1024xf32, #tpu.memory_space<hbm>>) target(%arg10 : memref<32x1024xf32, #tpu.memory_space<vmem>>) offsets(%arg9 : memref<32xi32, #tpu.memory_space<vmem>>) semaphore(%arg12 : memref<!tpu.dma_semaphore, #tpu.memory_space<semaphore_mem>>)
      %dma_start3A_27 = arith.constant 0 : i32
      %dma_start3A_28 = arith.constant 0 : i32
      %dma_start3A_29 = tpu.memref_slice %arg3[%dma_start3A_27, %dma_start3A_28] : memref<16000x1024xf32, #tpu.memory_space<hbm>> -> memref<16000x1024xf32, #tpu.memory_space<hbm>>
      tpu.enqueue_indirect_dma source(%dma_start3A_29 : memref<16000x1024xf32, #tpu.memory_space<hbm>>) target(%arg11 : memref<32x1024xf32, #tpu.memory_space<vmem>>) offsets(%arg9 : memref<32xi32, #tpu.memory_space<vmem>>) semaphore(%arg13 : memref<!tpu.dma_semaphore, #tpu.memory_space<semaphore_mem>>)
      %dma_wait3A = arith.constant 0 : i32
      %dma_wait3A_30 = arith.constant 0 : i32
      %dma_wait3A_31 = tpu.memref_slice %arg2[%dma_wait3A, %dma_wait3A_30] : memref<16000x1024xf32, #tpu.memory_space<hbm>> -> memref<16000x1024xf32, #tpu.memory_space<hbm>>
      tpu.wait_indirect_dma semaphore(%arg12 : memref<!tpu.dma_semaphore, #tpu.memory_space<semaphore_mem>>) src(%dma_wait3A_31 : memref<16000x1024xf32, #tpu.memory_space<hbm>>) dst(%arg10 : memref<32x1024xf32, #tpu.memory_space<vmem>>)
      "tpu.region"() ({
        %run_scoped3A = tpu.sem_alloc : memref<!tpu.dma_semaphore, #tpu.memory_space<semaphore_mem>>
        %dma_start3A_35 = arith.constant 0 : i32
        %dma_start3A_36 = tpu.memref_slice %arg6[%add3A_24, %dma_start3A_35] : memref<1024x1024xf32, #tpu.memory_space<hbm>> -> memref<32x1024xf32, #tpu.memory_space<hbm>>
        %dma_start3A_37 = arith.constant 0 : i32
        %dma_start3A_38 = tpu.memref_slice %arg6[%add3A_24, %dma_start3A_37] : memref<1024x1024xf32, #tpu.memory_space<hbm>> -> memref<32x1024xf32, #tpu.memory_space<hbm>>
        tpu.enqueue_dma source(%arg10 : memref<32x1024xf32, #tpu.memory_space<vmem>>) target(%dma_start3A_38 : memref<32x1024xf32, #tpu.memory_space<hbm>>) target_semaphore(%run_scoped3A : memref<!tpu.dma_semaphore, #tpu.memory_space<semaphore_mem>>)
        %dma_wait3A_39 = arith.constant 0 : i32
        %dma_wait3A_40 = tpu.memref_slice %arg6[%add3A_24, %dma_wait3A_39] : memref<1024x1024xf32, #tpu.memory_space<hbm>> -> memref<32x1024xf32, #tpu.memory_space<hbm>>
        %dma_wait3A_41 = arith.constant 0 : i32
        %dma_wait3A_42 = tpu.memref_slice %arg6[%add3A_24, %dma_wait3A_41] : memref<1024x1024xf32, #tpu.memory_space<hbm>> -> memref<32x1024xf32, #tpu.memory_space<hbm>>
        tpu.wait_dma2 semaphore(%run_scoped3A : memref<!tpu.dma_semaphore, #tpu.memory_space<semaphore_mem>>) src(%arg10 : memref<32x1024xf32, #tpu.memory_space<vmem>>) dst(%dma_wait3A_42 : memref<32x1024xf32, #tpu.memory_space<hbm>>)
        tpu.yield
      }) : () -> ()
      %dma_wait3A_32 = arith.constant 0 : i32
      %dma_wait3A_33 = arith.constant 0 : i32
      %dma_wait3A_34 = tpu.memref_slice %arg3[%dma_wait3A_32, %dma_wait3A_33] : memref<16000x1024xf32, #tpu.memory_space<hbm>> -> memref<16000x1024xf32, #tpu.memory_space<hbm>>
      tpu.wait_indirect_dma semaphore(%arg13 : memref<!tpu.dma_semaphore, #tpu.memory_space<semaphore_mem>>) src(%dma_wait3A_34 : memref<16000x1024xf32, #tpu.memory_space<hbm>>) dst(%arg11 : memref<32x1024xf32, #tpu.memory_space<vmem>>)
      "tpu.region"() ({
        %run_scoped3A = tpu.sem_alloc : memref<!tpu.dma_semaphore, #tpu.memory_space<semaphore_mem>>
        %dma_start3A_35 = arith.constant 0 : i32
        %dma_start3A_36 = tpu.memref_slice %arg7[%add3A_24, %dma_start3A_35] : memref<1024x1024xf32, #tpu.memory_space<hbm>> -> memref<32x1024xf32, #tpu.memory_space<hbm>>
        %dma_start3A_37 = arith.constant 0 : i32
        %dma_start3A_38 = tpu.memref_slice %arg7[%add3A_24, %dma_start3A_37] : memref<1024x1024xf32, #tpu.memory_space<hbm>> -> memref<32x1024xf32, #tpu.memory_space<hbm>>
        tpu.enqueue_dma source(%arg11 : memref<32x1024xf32, #tpu.memory_space<vmem>>) target(%dma_start3A_38 : memref<32x1024xf32, #tpu.memory_space<hbm>>) target_semaphore(%run_scoped3A : memref<!tpu.dma_semaphore, #tpu.memory_space<semaphore_mem>>)
        %dma_wait3A_39 = arith.constant 0 : i32
        %dma_wait3A_40 = tpu.memref_slice %arg7[%add3A_24, %dma_wait3A_39] : memref<1024x1024xf32, #tpu.memory_space<hbm>> -> memref<32x1024xf32, #tpu.memory_space<hbm>>
        %dma_wait3A_41 = arith.constant 0 : i32
        %dma_wait3A_42 = tpu.memref_slice %arg7[%add3A_24, %dma_wait3A_41] : memref<1024x1024xf32, #tpu.memory_space<hbm>> -> memref<32x1024xf32, #tpu.memory_space<hbm>>
        tpu.wait_dma2 semaphore(%run_scoped3A : memref<!tpu.dma_semaphore, #tpu.memory_space<semaphore_mem>>) src(%arg11 : memref<32x1024xf32, #tpu.memory_space<vmem>>) dst(%dma_wait3A_42 : memref<32x1024xf32, #tpu.memory_space<hbm>>)
        tpu.yield
      }) : () -> ()
    } else {
    }
    return
  }
}

module attributes {stable_mosaic.version = 14 : i64} {
  func.func @_merge_body(%arg0: i32, %arg1: memref<1024x512xf32, #tpu.memory_space<vmem>>, %arg2: memref<1024x1024xf32, #tpu.memory_space<vmem>>, %arg3: memref<1024x1xf32, #tpu.memory_space<vmem>>, %arg4: memref<1x128xi32, #tpu.memory_space<vmem>>, %arg5: memref<512x1024xf32, #tpu.memory_space<vmem>>, %arg6: memref<512x1024xf32, #tpu.memory_space<vmem>>) attributes {dimension_semantics = [#tpu.dimension_semantics<arbitrary>], iteration_bounds = array<i64: 2>, scalar_prefetch = 0 : i64, scratch_operands = 0 : i64, tpu.core_type = #tpu.core_type<tc>, window_params = [{transform_indices = @transform_0, window_bounds = array<i64: 1024, 512>}, {pipeline_mode = #tpu.pipeline_mode<synchronous>, transform_indices = @transform_1, window_bounds = array<i64: 1024, 1024>}, {pipeline_mode = #tpu.pipeline_mode<synchronous>, transform_indices = @transform_2, window_bounds = array<i64: 1024, 1>}, {pipeline_mode = #tpu.pipeline_mode<synchronous>, transform_indices = @transform_3, window_bounds = array<i64: 1, 128>}, {transform_indices = @transform_4, window_bounds = array<i64: 512, 1024>}, {transform_indices = @transform_5, window_bounds = array<i64: 512, 1024>}]} {
    %get3A = arith.constant 0 : index
    %get3A_0 = arith.constant 0 : index
    %get3A_1 = vector.load %arg4[%get3A, %get3A_0] : memref<1x128xi32, #tpu.memory_space<vmem>>, vector<1x1xi32>
    %get3A_2 = vector.extract %get3A_1[0, 0] : i32 from vector<1x1xi32>
    %iota3A = tpu.iota {dimensions = array<i32: 0>} : vector<1024x1xi32>
    %mul3A = arith.constant 16 : i32
    %mul3A_3 = arith.muli %get3A_2, %mul3A : i32
    %lt3A = vector.broadcast %mul3A_3 : i32 to vector<1024x1xi32>
    %lt3A_4 = arith.cmpi slt, %iota3A, %lt3A : vector<1024x1xi32>
    %get3A_5 = arith.constant 0 : index
    %get3A_6 = arith.constant 0 : index
    %get3A_7 = vector.load %arg1[%get3A_5, %get3A_6] : memref<1024x512xf32, #tpu.memory_space<vmem>>, vector<1024x512xf32>
    %get3A_8 = arith.constant 0 : index
    %get3A_9 = arith.constant 0 : index
    %get3A_10 = vector.load %arg3[%get3A_8, %get3A_9] : memref<1024x1xf32, #tpu.memory_space<vmem>>, vector<1024x1xf32>
    %mul3A_11 = vector.broadcast %get3A_10 : vector<1024x1xf32> to vector<1024x512xf32>
    %mul3A_12 = arith.mulf %get3A_7, %mul3A_11 : vector<1024x512xf32>
    %jit3A = arith.constant 0.000000e+00 : f32
    %broadcast_in_dim3A = vector.shape_cast %lt3A_4 : vector<1024x1xi1> to vector<1024x1xi1>
    %broadcast_in_dim3A_13 = vector.broadcast %broadcast_in_dim3A : vector<1024x1xi1> to vector<1024x512xi1>
    %broadcast_in_dim3A_14 = vector.broadcast %jit3A : f32 to vector<1024x512xf32>
    %select_n3A = arith.select %broadcast_in_dim3A_13, %mul3A_12, %broadcast_in_dim3A_14 : vector<1024x512xi1>, vector<1024x512xf32>
    %get3A_15 = arith.constant 0 : index
    %get3A_16 = arith.constant 0 : index
    %get3A_17 = vector.load %arg2[%get3A_15, %get3A_16] : memref<1024x1024xf32, #tpu.memory_space<vmem>>, vector<1024x1024xf32>
    %jit3A_18 = arith.constant 0.000000e+00 : f32
    %broadcast_in_dim3A_19 = vector.shape_cast %lt3A_4 : vector<1024x1xi1> to vector<1024x1xi1>
    %broadcast_in_dim3A_20 = vector.broadcast %broadcast_in_dim3A_19 : vector<1024x1xi1> to vector<1024x1024xi1>
    %broadcast_in_dim3A_21 = vector.broadcast %jit3A_18 : f32 to vector<1024x1024xf32>
    %select_n3A_22 = arith.select %broadcast_in_dim3A_20, %get3A_17, %broadcast_in_dim3A_21 : vector<1024x1024xi1>, vector<1024x1024xf32>
    %get3A_23 = arith.constant 0 : index
    %get3A_24 = arith.constant 0 : index
    %get3A_25 = vector.load %arg5[%get3A_23, %get3A_24] : memref<512x1024xf32, #tpu.memory_space<vmem>>, vector<512x1024xf32>
    %dot_general3A = arith.constant dense<0.000000e+00> : vector<512x1024xf32>
    %dot_general3A_26 = tpu.matmul %select_n3A, %select_n3A_22, %dot_general3A {dimension_numbers = #tpu.dot_dimension_numbers<[0], [0], [1], [1], [0, 1, 1, 1], [], []>, transpose_lhs_hint = false} : vector<1024x512xf32>, vector<1024x1024xf32>, vector<512x1024xf32> -> vector<512x1024xf32>
    %add3A = arith.addf %get3A_25, %dot_general3A_26 : vector<512x1024xf32>
    %swap3A = arith.constant 0 : index
    %swap3A_27 = arith.constant 0 : index
    %swap3A_28 = vector.load %arg6[%swap3A, %swap3A_27] : memref<512x1024xf32, #tpu.memory_space<vmem>>, vector<512x1024xf32>
    tpu.vector_store %arg6[%swap3A, %swap3A_27], %add3A {strides = array<i32>} : memref<512x1024xf32, #tpu.memory_space<vmem>>, vector<512x1024xf32>,
    return
  }
  func.func @transform_0(%arg0: i32) -> (i32, i32) {
    %c0_i32 = arith.constant 0 : i32
    %c0_i32_0 = arith.constant 0 : i32
    return %c0_i32, %arg0 : i32, i32
  }
  func.func @transform_1(%arg0: i32) -> (i32, i32) {
    %c0_i32 = arith.constant 0 : i32
    %c0_i32_0 = arith.constant 0 : i32
    %c0_i32_1 = arith.constant 0 : i32
    return %c0_i32, %c0_i32_0 : i32, i32
  }
  func.func @transform_2(%arg0: i32) -> (i32, i32) {
    %c0_i32 = arith.constant 0 : i32
    %c0_i32_0 = arith.constant 0 : i32
    %c0_i32_1 = arith.constant 0 : i32
    return %c0_i32, %c0_i32_0 : i32, i32
  }
  func.func @transform_3(%arg0: i32) -> (i32, i32) {
    %c0_i32 = arith.constant 0 : i32
    %c0_i32_0 = arith.constant 0 : i32
    %c0_i32_1 = arith.constant 0 : i32
    return %c0_i32, %c0_i32_0 : i32, i32
  }
  func.func @transform_4(%arg0: i32) -> (i32, i32) {
    %c0_i32 = arith.constant 0 : i32
    %c0_i32_0 = arith.constant 0 : i32
    return %arg0, %c0_i32 : i32, i32
  }
  func.func @transform_5(%arg0: i32) -> (i32, i32) {
    %c0_i32 = arith.constant 0 : i32
    %c0_i32_0 = arith.constant 0 : i32
    return %arg0, %c0_i32 : i32, i32
  }
}

module attributes {stable_mosaic.version = 14 : i64} {
  func.func @_fused_body(%arg0: memref<1x1024xf32, #tpu.memory_space<vmem>>, %arg1: memref<1000x1024xf32, #tpu.memory_space<vmem>>, %arg2: memref<16000x1024xf32, #tpu.memory_space<any>>, %arg3: memref<16000x1024xf32, #tpu.memory_space<any>>, %arg4: memref<1024x1024xf32, #tpu.memory_space<vmem>>, %arg5: memref<1024x1024xf32, #tpu.memory_space<vmem>>, %arg6: memref<1024x1xf32, #tpu.memory_space<vmem>>, %arg7: memref<8x128xi32, #tpu.memory_space<vmem>>, %arg8: memref<1x128xi32, #tpu.memory_space<vmem>>, %arg9: memref<64x1024xf32, #tpu.memory_space<vmem>>, %arg10: memref<64x1024xf32, #tpu.memory_space<vmem>>, %arg11: memref<!tpu.dma_semaphore, #tpu.memory_space<semaphore_mem>>) attributes {dimension_semantics = [], scalar_prefetch = 0 : i64, scratch_operands = 3 : i64, tpu.core_type = #tpu.core_type<tc>} {
    %get3A = arith.constant 0 : index
    %get3A_0 = arith.constant 0 : index
    %get3A_1 = vector.load %arg0[%get3A, %get3A_0] : memref<1x1024xf32, #tpu.memory_space<vmem>>, vector<1x1024xf32>
    %get3A_2 = arith.constant 0 : index
    %get3A_3 = arith.constant 0 : index
    %get3A_4 = vector.load %arg1[%get3A_2, %get3A_3] : memref<1000x1024xf32, #tpu.memory_space<vmem>>, vector<1000x1024xf32>
    %mul3A = arith.mulf %get3A_1, %get3A_1 : vector<1x1024xf32>
    %reduce_sum3A = vector.shape_cast %mul3A : vector<1x1024xf32> to vector<1x1x1024xf32>
    %reduce_sum3A_5 = arith.constant dense<0.000000e+00> : vector<1xf32>
    %reduce_sum3A_6 = vector.multi_reduction <add>, %reduce_sum3A, %reduce_sum3A_5 [1, 2] : vector<1x1x1024xf32> to vector<1xf32>
    %reduce_sum3A_7 = vector.shape_cast %reduce_sum3A_6 : vector<1xf32> to vector<1x1x1xf32>
    %reduce_sum3A_8 = vector.extract %reduce_sum3A_7[0, 0, 0] : f32 from vector<1x1x1xf32>
    %sqrt3A = math.sqrt %reduce_sum3A_8 : f32
    %add3A = arith.constant 9.99999971E-10 : f32
    %add3A_9 = arith.addf %sqrt3A, %add3A : f32
    %broadcast_in_dim3A = arith.constant 1.000000e+00 : f32
    %broadcast_in_dim3A_10 = vector.broadcast %broadcast_in_dim3A : f32 to vector<1x1024xf32>
    %dot_general3A = arith.constant dense<0.000000e+00> : vector<1x1000xf32>
    %dot_general3A_11 = tpu.matmul %get3A_1, %get3A_4, %dot_general3A {dimension_numbers = #tpu.dot_dimension_numbers<[1], [1], [0], [0], [0, 0, 1, 0], [], []>, transpose_lhs_hint = false} : vector<1x1024xf32>, vector<1000x1024xf32>, vector<1x1000xf32> -> vector<1x1000xf32>
    %mul3A_12 = arith.mulf %get3A_4, %get3A_4 : vector<1000x1024xf32>
    %dot_general3A_13 = arith.constant dense<0.000000e+00> : vector<1x1000xf32>
    %dot_general3A_14 = tpu.matmul %broadcast_in_dim3A_10, %mul3A_12, %dot_general3A_13 {dimension_numbers = #tpu.dot_dimension_numbers<[1], [1], [0], [0], [0, 0, 1, 0], [], []>, transpose_lhs_hint = false} : vector<1x1024xf32>, vector<1000x1024xf32>, vector<1x1000xf32> -> vector<1x1000xf32>
    %sqrt3A_15 = math.sqrt %dot_general3A_14 : vector<1x1000xf32>
    %add3A_16 = arith.constant 9.99999971E-10 : f32
    %add3A_17 = vector.broadcast %add3A_16 : f32 to vector<1x1000xf32>
    %add3A_18 = arith.addf %sqrt3A_15, %add3A_17 : vector<1x1000xf32>
    %mul3A_19 = vector.broadcast %add3A_9 : f32 to vector<1x1000xf32>
    %mul3A_20 = arith.mulf %mul3A_19, %add3A_18 : vector<1x1000xf32>
    %mul3A_21 = arith.constant 4.000000e-02 : f32
    %mul3A_22 = vector.broadcast %mul3A_21 : f32 to vector<1x1000xf32>
    %mul3A_23 = arith.mulf %mul3A_20, %mul3A_22 : vector<1x1000xf32>
    %div3A = arith.divf %dot_general3A_11, %mul3A_23 : vector<1x1000xf32>
    %reduce_max3A = vector.shape_cast %div3A : vector<1x1000xf32> to vector<1x1x1000xf32>
    %reduce_max3A_24 = arith.constant dense<0xFF800000> : vector<1xf32>
    %reduce_max3A_25 = vector.multi_reduction <maximumf>, %reduce_max3A, %reduce_max3A_24 [1, 2] : vector<1x1x1000xf32> to vector<1xf32>
    %reduce_max3A_26 = vector.shape_cast %reduce_max3A_25 : vector<1xf32> to vector<1x1x1xf32>
    %reduce_max3A_27 = vector.extract %reduce_max3A_26[0, 0, 0] : f32 from vector<1x1x1xf32>
    %sub3A = vector.broadcast %reduce_max3A_27 : f32 to vector<1x1000xf32>
    %sub3A_28 = arith.subf %div3A, %sub3A : vector<1x1000xf32>
    %exp3A = math.exp %sub3A_28 : vector<1x1000xf32>
    %reduce_sum3A_29 = vector.shape_cast %exp3A : vector<1x1000xf32> to vector<1x1x1000xf32>
    %reduce_sum3A_30 = arith.constant dense<0.000000e+00> : vector<1xf32>
    %reduce_sum3A_31 = vector.multi_reduction <add>, %reduce_sum3A_29, %reduce_sum3A_30 [1, 2] : vector<1x1x1000xf32> to vector<1xf32>
    %reduce_sum3A_32 = vector.shape_cast %reduce_sum3A_31 : vector<1xf32> to vector<1x1x1xf32>
    %reduce_sum3A_33 = vector.extract %reduce_sum3A_32[0, 0, 0] : f32 from vector<1x1x1xf32>
    %div3A_34 = vector.broadcast %reduce_sum3A_33 : f32 to vector<1x1000xf32>
    %div3A_35 = arith.divf %exp3A, %div3A_34 : vector<1x1000xf32>
    %ge3A = arith.constant 0.00999999977 : f32
    %ge3A_36 = vector.broadcast %ge3A : f32 to vector<1x1000xf32>
    %ge3A_37 = arith.cmpf oge, %div3A_35, %ge3A_36 : vector<1x1000xf32>
    %jit3A = arith.constant 0.000000e+00 : f32
    %broadcast_in_dim3A_38 = vector.broadcast %jit3A : f32 to vector<1x1000xf32>
    %select_n3A = arith.select %ge3A_37, %div3A_35, %broadcast_in_dim3A_38 : vector<1x1000xi1>, vector<1x1000xf32>
    %ge3A_39 = arith.constant 0.00999999977 : f32
    %ge3A_40 = vector.broadcast %ge3A_39 : f32 to vector<1x1000xf32>
    %ge3A_41 = arith.cmpf oge, %select_n3A, %ge3A_40 : vector<1x1000xf32>
    %jit3A_42 = arith.constant 1 : i32
    %jit3A_43 = arith.constant 0 : i32
    %broadcast_in_dim3A_44 = vector.broadcast %jit3A_42 : i32 to vector<1x1000xi32>
    %broadcast_in_dim3A_45 = vector.broadcast %jit3A_43 : i32 to vector<1x1000xi32>
    %select_n3A_46 = arith.select %ge3A_41, %broadcast_in_dim3A_44, %broadcast_in_dim3A_45 : vector<1x1000xi1>, vector<1x1000xi32>
    %reduce_sum3A_47 = vector.shape_cast %select_n3A_46 : vector<1x1000xi32> to vector<1x1x1000xi32>
    %reduce_sum3A_48 = arith.constant dense<0> : vector<1xi32>
    %reduce_sum3A_49 = vector.multi_reduction <add>, %reduce_sum3A_47, %reduce_sum3A_48 [1, 2] : vector<1x1x1000xi32> to vector<1xi32>
    %reduce_sum3A_50 = vector.shape_cast %reduce_sum3A_49 : vector<1xi32> to vector<1x1x1xi32>
    %reduce_sum3A_51 = vector.extract %reduce_sum3A_50[0, 0, 0] : i32 from vector<1x1x1xi32>
    %min3A = arith.constant 50 : i32
    %min3A_52 = arith.minsi %reduce_sum3A_51, %min3A : i32
    %broadcast_in_dim3A_53 = arith.constant -1.000000e+00 : f32
    %broadcast_in_dim3A_54 = vector.broadcast %broadcast_in_dim3A_53 : f32 to vector<1x24xf32>
    %concatenate3A = tpu.concatenate %select_n3A, %broadcast_in_dim3A_54 in 1 : vector<1x1000xf32>, vector<1x24xf32> -> vector<1x1024xf32>
    %slice3A = vector.extract_strided_slice %concatenate3A {offsets = [0, 0], sizes = [1, 128], strides = [1, 1]} : vector<1x1024xf32> to vector<1x128xf32>
    %slice3A_55 = vector.extract_strided_slice %concatenate3A {offsets = [0, 128], sizes = [1, 128], strides = [1, 1]} : vector<1x1024xf32> to vector<1x128xf32>
    %slice3A_56 = vector.extract_strided_slice %concatenate3A {offsets = [0, 256], sizes = [1, 128], strides = [1, 1]} : vector<1x1024xf32> to vector<1x128xf32>
    %slice3A_57 = vector.extract_strided_slice %concatenate3A {offsets = [0, 384], sizes = [1, 128], strides = [1, 1]} : vector<1x1024xf32> to vector<1x128xf32>
    %slice3A_58 = vector.extract_strided_slice %concatenate3A {offsets = [0, 512], sizes = [1, 128], strides = [1, 1]} : vector<1x1024xf32> to vector<1x128xf32>
    %slice3A_59 = vector.extract_strided_slice %concatenate3A {offsets = [0, 640], sizes = [1, 128], strides = [1, 1]} : vector<1x1024xf32> to vector<1x128xf32>
    %slice3A_60 = vector.extract_strided_slice %concatenate3A {offsets = [0, 768], sizes = [1, 128], strides = [1, 1]} : vector<1x1024xf32> to vector<1x128xf32>
    %slice3A_61 = vector.extract_strided_slice %concatenate3A {offsets = [0, 896], sizes = [1, 128], strides = [1, 1]} : vector<1x1024xf32> to vector<1x128xf32>
    %concatenate3A_62 = tpu.concatenate %slice3A, %slice3A_55, %slice3A_56, %slice3A_57, %slice3A_58, %slice3A_59, %slice3A_60, %slice3A_61 in 0 : vector<1x128xf32>, vector<1x128xf32>, vector<1x128xf32>, vector<1x128xf32>, vector<1x128xf32>, vector<1x128xf32>, vector<1x128xf32>, vector<1x128xf32> -> vector<8x128xf32>
    %iota3A = tpu.iota {dimensions = array<i32: 0>} : vector<8x128xi32>
    %mul3A_63 = arith.constant 128 : i32
    %mul3A_64 = vector.broadcast %mul3A_63 : i32 to vector<8x128xi32>
    %mul3A_65 = arith.muli %iota3A, %mul3A_64 : vector<8x128xi32>
    %iota3A_66 = tpu.iota {dimensions = array<i32: 1>} : vector<8x128xi32>
    %add3A_67 = arith.addi %mul3A_65, %iota3A_66 : vector<8x128xi32>
    %iota3A_68 = tpu.iota {dimensions = array<i32: 1>} : vector<1x64xi32>
    %iota3A_69 = tpu.iota {dimensions = array<i32: 0>} : vector<64x1xi32>
    %broadcast_in_dim3A_70 = arith.constant 0.000000e+00 : f32
    %broadcast_in_dim3A_71 = vector.broadcast %broadcast_in_dim3A_70 : f32 to vector<64x1xf32>
    %broadcast_in_dim3A_72 = arith.constant 0 : i32
    %broadcast_in_dim3A_73 = vector.broadcast %broadcast_in_dim3A_72 : i32 to vector<1x64xi32>
    %broadcast_in_dim3A_74 = arith.constant 0.000000e+00 : f32
    %broadcast_in_dim3A_75 = vector.broadcast %broadcast_in_dim3A_74 : f32 to vector<1x1xf32>
    %while3A = arith.constant 0 : i32
    %while3A_76 = arith.subi %min3A_52, %while3A : i32
    %while3A_77 = arith.addi %while3A, %while3A_76 : i32
    %while3A_78 = arith.constant 1 : i32
    %while3A_79 = arith.divsi %while3A_76, %while3A_78 : i32
    %while3A_80 = arith.muli %while3A_79, %while3A_78 : i32
    %while3A_81 = arith.addi %while3A, %while3A_80 : i32
    %while3A_82 = arith.constant 1 : i32
    %while3A_83:4 = scf.for %while3A_407 = %while3A to %while3A_81 step %while3A_82 iter_args(%while3A_408 = %concatenate3A_62, %while3A_409 = %broadcast_in_dim3A_71, %while3A_410 = %broadcast_in_dim3A_73, %while3A_411 = %broadcast_in_dim3A_75) -> (vector<8x128xf32>, vector<64x1xf32>, vector<1x64xi32>, vector<1x1xf32>)  : i32 {
      %reduce_max3A_412 = vector.shape_cast %while3A_408 : vector<8x128xf32> to vector<1x8x128xf32>
      %reduce_max3A_413 = arith.constant dense<0xFF800000> : vector<1xf32>
      %reduce_max3A_414 = vector.multi_reduction <maximumf>, %reduce_max3A_412, %reduce_max3A_413 [1, 2] : vector<1x8x128xf32> to vector<1xf32>
      %reduce_max3A_415 = vector.shape_cast %reduce_max3A_414 : vector<1xf32> to vector<1x1x1xf32>
      %reduce_max3A_416 = vector.extract %reduce_max3A_415[0, 0, 0] : f32 from vector<1x1x1xf32>
      %broadcast_in_dim3A_417 = vector.broadcast %reduce_max3A_416 : f32 to vector<1x1xf32>
      %eq3A_418 = vector.broadcast %broadcast_in_dim3A_417 : vector<1x1xf32> to vector<8x128xf32>
      %eq3A_419 = arith.cmpf oeq, %while3A_408, %eq3A_418 : vector<8x128xf32>
      %jit3A_420 = arith.constant 1073741824 : i32
      %broadcast_in_dim3A_421 = vector.broadcast %jit3A_420 : i32 to vector<8x128xi32>
      %select_n3A_422 = arith.select %eq3A_419, %add3A_67, %broadcast_in_dim3A_421 : vector<8x128xi1>, vector<8x128xi32>
      %reduce_min3A = vector.shape_cast %select_n3A_422 : vector<8x128xi32> to vector<1x8x128xi32>
      %reduce_min3A_423 = arith.constant dense<2147483647> : vector<1xi32>
      %reduce_min3A_424 = vector.multi_reduction <minsi>, %reduce_min3A, %reduce_min3A_423 [1, 2] : vector<1x8x128xi32> to vector<1xi32>
      %reduce_min3A_425 = vector.shape_cast %reduce_min3A_424 : vector<1xi32> to vector<1x1x1xi32>
      %reduce_min3A_426 = vector.extract %reduce_min3A_425[0, 0, 0] : i32 from vector<1x1x1xi32>
      %broadcast_in_dim3A_427 = vector.broadcast %reduce_min3A_426 : i32 to vector<1x1xi32>
      %add3A_428 = arith.addf %while3A_411, %broadcast_in_dim3A_417 : vector<1x1xf32>
      %eq3A_429 = vector.broadcast %while3A_407 : i32 to vector<64x1xi32>
      %eq3A_430 = arith.cmpi eq, %iota3A_69, %eq3A_429 : vector<64x1xi32>
      %jit3A_431 = arith.constant 0.000000e+00 : f32
      %broadcast_in_dim3A_432 = vector.shape_cast %broadcast_in_dim3A_417 : vector<1x1xf32> to vector<1x1xf32>
      %broadcast_in_dim3A_433 = vector.broadcast %broadcast_in_dim3A_432 : vector<1x1xf32> to vector<64x1xf32>
      %broadcast_in_dim3A_434 = vector.broadcast %jit3A_431 : f32 to vector<64x1xf32>
      %select_n3A_435 = arith.select %eq3A_430, %broadcast_in_dim3A_433, %broadcast_in_dim3A_434 : vector<64x1xi1>, vector<64x1xf32>
      %add3A_436 = arith.addf %while3A_409, %select_n3A_435 : vector<64x1xf32>
      %eq3A_437 = vector.broadcast %while3A_407 : i32 to vector<1x64xi32>
      %eq3A_438 = arith.cmpi eq, %iota3A_68, %eq3A_437 : vector<1x64xi32>
      %jit3A_439 = arith.constant 0 : i32
      %broadcast_in_dim3A_440 = vector.shape_cast %broadcast_in_dim3A_427 : vector<1x1xi32> to vector<1x1xi32>
      %broadcast_in_dim3A_441 = vector.broadcast %broadcast_in_dim3A_440 : vector<1x1xi32> to vector<1x64xi32>
      %broadcast_in_dim3A_442 = vector.broadcast %jit3A_439 : i32 to vector<1x64xi32>
      %select_n3A_443 = arith.select %eq3A_438, %broadcast_in_dim3A_441, %broadcast_in_dim3A_442 : vector<1x64xi1>, vector<1x64xi32>
      %add3A_444 = arith.addi %while3A_410, %select_n3A_443 : vector<1x64xi32>
      %eq3A_445 = vector.broadcast %broadcast_in_dim3A_427 : vector<1x1xi32> to vector<8x128xi32>
      %eq3A_446 = arith.cmpi eq, %add3A_67, %eq3A_445 : vector<8x128xi32>
      %jit3A_447 = arith.constant -1.000000e+00 : f32
      %broadcast_in_dim3A_448 = vector.broadcast %jit3A_447 : f32 to vector<8x128xf32>
      %select_n3A_449 = arith.select %eq3A_446, %broadcast_in_dim3A_448, %while3A_408 : vector<8x128xi1>, vector<8x128xf32>
      scf.yield %select_n3A_449, %add3A_436, %add3A_444, %add3A_428 : vector<8x128xf32>, vector<64x1xf32>, vector<1x64xi32>, vector<1x1xf32>
    }
    %while3A_84 = arith.constant 1 : i32
    %while3A_85:4 = scf.for %while3A_407 = %while3A_81 to %while3A_77 step %while3A_84 iter_args(%while3A_408 = %while3A_83#0, %while3A_409 = %while3A_83#1, %while3A_410 = %while3A_83#2, %while3A_411 = %while3A_83#3) -> (vector<8x128xf32>, vector<64x1xf32>, vector<1x64xi32>, vector<1x1xf32>)  : i32 {
      %reduce_max3A_412 = vector.shape_cast %while3A_408 : vector<8x128xf32> to vector<1x8x128xf32>
      %reduce_max3A_413 = arith.constant dense<0xFF800000> : vector<1xf32>
      %reduce_max3A_414 = vector.multi_reduction <maximumf>, %reduce_max3A_412, %reduce_max3A_413 [1, 2] : vector<1x8x128xf32> to vector<1xf32>
      %reduce_max3A_415 = vector.shape_cast %reduce_max3A_414 : vector<1xf32> to vector<1x1x1xf32>
      %reduce_max3A_416 = vector.extract %reduce_max3A_415[0, 0, 0] : f32 from vector<1x1x1xf32>
      %broadcast_in_dim3A_417 = vector.broadcast %reduce_max3A_416 : f32 to vector<1x1xf32>
      %eq3A_418 = vector.broadcast %broadcast_in_dim3A_417 : vector<1x1xf32> to vector<8x128xf32>
      %eq3A_419 = arith.cmpf oeq, %while3A_408, %eq3A_418 : vector<8x128xf32>
      %jit3A_420 = arith.constant 1073741824 : i32
      %broadcast_in_dim3A_421 = vector.broadcast %jit3A_420 : i32 to vector<8x128xi32>
      %select_n3A_422 = arith.select %eq3A_419, %add3A_67, %broadcast_in_dim3A_421 : vector<8x128xi1>, vector<8x128xi32>
      %reduce_min3A = vector.shape_cast %select_n3A_422 : vector<8x128xi32> to vector<1x8x128xi32>
      %reduce_min3A_423 = arith.constant dense<2147483647> : vector<1xi32>
      %reduce_min3A_424 = vector.multi_reduction <minsi>, %reduce_min3A, %reduce_min3A_423 [1, 2] : vector<1x8x128xi32> to vector<1xi32>
      %reduce_min3A_425 = vector.shape_cast %reduce_min3A_424 : vector<1xi32> to vector<1x1x1xi32>
      %reduce_min3A_426 = vector.extract %reduce_min3A_425[0, 0, 0] : i32 from vector<1x1x1xi32>
      %broadcast_in_dim3A_427 = vector.broadcast %reduce_min3A_426 : i32 to vector<1x1xi32>
      %add3A_428 = arith.addf %while3A_411, %broadcast_in_dim3A_417 : vector<1x1xf32>
      %eq3A_429 = vector.broadcast %while3A_407 : i32 to vector<64x1xi32>
      %eq3A_430 = arith.cmpi eq, %iota3A_69, %eq3A_429 : vector<64x1xi32>
      %jit3A_431 = arith.constant 0.000000e+00 : f32
      %broadcast_in_dim3A_432 = vector.shape_cast %broadcast_in_dim3A_417 : vector<1x1xf32> to vector<1x1xf32>
      %broadcast_in_dim3A_433 = vector.broadcast %broadcast_in_dim3A_432 : vector<1x1xf32> to vector<64x1xf32>
      %broadcast_in_dim3A_434 = vector.broadcast %jit3A_431 : f32 to vector<64x1xf32>
      %select_n3A_435 = arith.select %eq3A_430, %broadcast_in_dim3A_433, %broadcast_in_dim3A_434 : vector<64x1xi1>, vector<64x1xf32>
      %add3A_436 = arith.addf %while3A_409, %select_n3A_435 : vector<64x1xf32>
      %eq3A_437 = vector.broadcast %while3A_407 : i32 to vector<1x64xi32>
      %eq3A_438 = arith.cmpi eq, %iota3A_68, %eq3A_437 : vector<1x64xi32>
      %jit3A_439 = arith.constant 0 : i32
      %broadcast_in_dim3A_440 = vector.shape_cast %broadcast_in_dim3A_427 : vector<1x1xi32> to vector<1x1xi32>
      %broadcast_in_dim3A_441 = vector.broadcast %broadcast_in_dim3A_440 : vector<1x1xi32> to vector<1x64xi32>
      %broadcast_in_dim3A_442 = vector.broadcast %jit3A_439 : i32 to vector<1x64xi32>
      %select_n3A_443 = arith.select %eq3A_438, %broadcast_in_dim3A_441, %broadcast_in_dim3A_442 : vector<1x64xi1>, vector<1x64xi32>
      %add3A_444 = arith.addi %while3A_410, %select_n3A_443 : vector<1x64xi32>
      %eq3A_445 = vector.broadcast %broadcast_in_dim3A_427 : vector<1x1xi32> to vector<8x128xi32>
      %eq3A_446 = arith.cmpi eq, %add3A_67, %eq3A_445 : vector<8x128xi32>
      %jit3A_447 = arith.constant -1.000000e+00 : f32
      %broadcast_in_dim3A_448 = vector.broadcast %jit3A_447 : f32 to vector<8x128xf32>
      %select_n3A_449 = arith.select %eq3A_446, %broadcast_in_dim3A_448, %while3A_408 : vector<8x128xi1>, vector<8x128xf32>
      scf.yield %select_n3A_449, %add3A_436, %add3A_444, %add3A_428 : vector<8x128xf32>, vector<64x1xf32>, vector<1x64xi32>, vector<1x1xf32>
    }
    %iota3A_86 = tpu.iota {dimensions = array<i32: 0>} : vector<1024x64xi32>
    %jit3A_87 = arith.constant 16 : i32
    %div3A_88 = vector.broadcast %jit3A_87 : i32 to vector<1024x64xi32>
    %div3A_89 = arith.divsi %iota3A_86, %div3A_88 : vector<1024x64xi32>
    %sign3A = arith.constant 0 : i32
    %sign3A_90 = vector.broadcast %sign3A : i32 to vector<1024x64xi32>
    %sign3A_91 = arith.cmpi sgt, %iota3A_86, %sign3A_90 : vector<1024x64xi32>
    %sign3A_92 = arith.extui %sign3A_91 : vector<1024x64xi1> to vector<1024x64xi32>
    %sign3A_93 = arith.constant 0 : i32
    %sign3A_94 = vector.broadcast %sign3A_93 : i32 to vector<1024x64xi32>
    %sign3A_95 = arith.cmpi slt, %iota3A_86, %sign3A_94 : vector<1024x64xi32>
    %sign3A_96 = arith.extui %sign3A_95 : vector<1024x64xi1> to vector<1024x64xi32>
    %sign3A_97 = arith.subi %sign3A_92, %sign3A_96 : vector<1024x64xi32>
    %sign3A_98 = arith.constant 0 : i32
    %sign3A_99 = arith.cmpi sgt, %jit3A_87, %sign3A_98 : i32
    %sign3A_100 = arith.extui %sign3A_99 : i1 to i32
    %sign3A_101 = arith.constant 0 : i32
    %sign3A_102 = arith.cmpi slt, %jit3A_87, %sign3A_101 : i32
    %sign3A_103 = arith.extui %sign3A_102 : i1 to i32
    %sign3A_104 = arith.subi %sign3A_100, %sign3A_103 : i32
    %ne3A = vector.broadcast %sign3A_104 : i32 to vector<1024x64xi32>
    %ne3A_105 = arith.cmpi ne, %sign3A_97, %ne3A : vector<1024x64xi32>
    %rem3A = vector.broadcast %jit3A_87 : i32 to vector<1024x64xi32>
    %rem3A_106 = arith.remsi %iota3A_86, %rem3A : vector<1024x64xi32>
    %ne3A_107 = arith.constant 0 : i32
    %ne3A_108 = vector.broadcast %ne3A_107 : i32 to vector<1024x64xi32>
    %ne3A_109 = arith.cmpi ne, %rem3A_106, %ne3A_108 : vector<1024x64xi32>
    %and3A = arith.andi %ne3A_105, %ne3A_109 : vector<1024x64xi1>
    %sub3A_110 = arith.constant 1 : i32
    %sub3A_111 = vector.broadcast %sub3A_110 : i32 to vector<1024x64xi32>
    %sub3A_112 = arith.subi %div3A_89, %sub3A_111 : vector<1024x64xi32>
    %select_n3A_113 = arith.select %and3A, %sub3A_112, %div3A_89 : vector<1024x64xi1>, vector<1024x64xi32>
    %iota3A_114 = tpu.iota {dimensions = array<i32: 1>} : vector<1024x64xi32>
    %eq3A = arith.cmpi eq, %select_n3A_113, %iota3A_114 : vector<1024x64xi32>
    %jit3A_115 = arith.constant 1.000000e+00 : f32
    %jit3A_116 = arith.constant 0.000000e+00 : f32
    %broadcast_in_dim3A_117 = vector.broadcast %jit3A_115 : f32 to vector<1024x64xf32>
    %broadcast_in_dim3A_118 = vector.broadcast %jit3A_116 : f32 to vector<1024x64xf32>
    %select_n3A_119 = arith.select %eq3A, %broadcast_in_dim3A_117, %broadcast_in_dim3A_118 : vector<1024x64xi1>, vector<1024x64xf32>
    %add3A_120 = arith.constant 9.99999971E-10 : f32
    %add3A_121 = vector.broadcast %add3A_120 : f32 to vector<1x1xf32>
    %add3A_122 = arith.addf %while3A_85#3, %add3A_121 : vector<1x1xf32>
    %div3A_123 = vector.broadcast %add3A_122 : vector<1x1xf32> to vector<64x1xf32>
    %div3A_124 = arith.divf %while3A_85#1, %div3A_123 : vector<64x1xf32>
    %mul3A_125 = arith.constant 2.000000e+00 : f32
    %mul3A_126 = vector.broadcast %mul3A_125 : f32 to vector<64x1xf32>
    %mul3A_127 = arith.mulf %div3A_124, %mul3A_126 : vector<64x1xf32>
    %dot_general3A_128 = arith.constant dense<0.000000e+00> : vector<1024x1xf32>
    %dot_general3A_129 = tpu.matmul %select_n3A_119, %mul3A_127, %dot_general3A_128 {dimension_numbers = #tpu.dot_dimension_numbers<[1], [0], [0], [1], [0, 0, 1, 1], [], []>, transpose_lhs_hint = false} : vector<1024x64xf32>, vector<64x1xf32>, vector<1024x1xf32> -> vector<1024x1xf32>
    %iota3A_130 = tpu.iota {dimensions = array<i32: 0>} : vector<8x64xi32>
    %iota3A_131 = tpu.iota {dimensions = array<i32: 1>} : vector<8x64xi32>
    %jit3A_132 = arith.constant 8 : i32
    %div3A_133 = vector.broadcast %jit3A_132 : i32 to vector<8x64xi32>
    %div3A_134 = arith.divsi %iota3A_131, %div3A_133 : vector<8x64xi32>
    %sign3A_135 = arith.constant 0 : i32
    %sign3A_136 = vector.broadcast %sign3A_135 : i32 to vector<8x64xi32>
    %sign3A_137 = arith.cmpi sgt, %iota3A_131, %sign3A_136 : vector<8x64xi32>
    %sign3A_138 = arith.extui %sign3A_137 : vector<8x64xi1> to vector<8x64xi32>
    %sign3A_139 = arith.constant 0 : i32
    %sign3A_140 = vector.broadcast %sign3A_139 : i32 to vector<8x64xi32>
    %sign3A_141 = arith.cmpi slt, %iota3A_131, %sign3A_140 : vector<8x64xi32>
    %sign3A_142 = arith.extui %sign3A_141 : vector<8x64xi1> to vector<8x64xi32>
    %sign3A_143 = arith.subi %sign3A_138, %sign3A_142 : vector<8x64xi32>
    %sign3A_144 = arith.constant 0 : i32
    %sign3A_145 = arith.cmpi sgt, %jit3A_132, %sign3A_144 : i32
    %sign3A_146 = arith.extui %sign3A_145 : i1 to i32
    %sign3A_147 = arith.constant 0 : i32
    %sign3A_148 = arith.cmpi slt, %jit3A_132, %sign3A_147 : i32
    %sign3A_149 = arith.extui %sign3A_148 : i1 to i32
    %sign3A_150 = arith.subi %sign3A_146, %sign3A_149 : i32
    %ne3A_151 = vector.broadcast %sign3A_150 : i32 to vector<8x64xi32>
    %ne3A_152 = arith.cmpi ne, %sign3A_143, %ne3A_151 : vector<8x64xi32>
    %rem3A_153 = vector.broadcast %jit3A_132 : i32 to vector<8x64xi32>
    %rem3A_154 = arith.remsi %iota3A_131, %rem3A_153 : vector<8x64xi32>
    %ne3A_155 = arith.constant 0 : i32
    %ne3A_156 = vector.broadcast %ne3A_155 : i32 to vector<8x64xi32>
    %ne3A_157 = arith.cmpi ne, %rem3A_154, %ne3A_156 : vector<8x64xi32>
    %and3A_158 = arith.andi %ne3A_152, %ne3A_157 : vector<8x64xi1>
    %sub3A_159 = arith.constant 1 : i32
    %sub3A_160 = vector.broadcast %sub3A_159 : i32 to vector<8x64xi32>
    %sub3A_161 = arith.subi %div3A_134, %sub3A_160 : vector<8x64xi32>
    %select_n3A_162 = arith.select %and3A_158, %sub3A_161, %div3A_134 : vector<8x64xi1>, vector<8x64xi32>
    %eq3A_163 = arith.cmpi eq, %select_n3A_162, %iota3A_130 : vector<8x64xi32>
    %jit3A_164 = arith.constant 1.000000e+00 : f32
    %jit3A_165 = arith.constant 0.000000e+00 : f32
    %broadcast_in_dim3A_166 = vector.broadcast %jit3A_164 : f32 to vector<8x64xf32>
    %broadcast_in_dim3A_167 = vector.broadcast %jit3A_165 : f32 to vector<8x64xf32>
    %select_n3A_168 = arith.select %eq3A_163, %broadcast_in_dim3A_166, %broadcast_in_dim3A_167 : vector<8x64xi1>, vector<8x64xf32>
    %convert_element_type3A = arith.sitofp %while3A_85#2 : vector<1x64xi32> to vector<1x64xf32>
    %mul3A_169 = vector.broadcast %convert_element_type3A : vector<1x64xf32> to vector<8x64xf32>
    %mul3A_170 = arith.mulf %select_n3A_168, %mul3A_169 : vector<8x64xf32>
    %iota3A_171 = tpu.iota {dimensions = array<i32: 0>} : vector<64x128xi32>
    %iota3A_172 = tpu.iota {dimensions = array<i32: 1>} : vector<64x128xi32>
    %jit3A_173 = arith.constant 8 : i32
    %eq3A_174 = arith.constant 0 : i32
    %eq3A_175 = arith.cmpi eq, %jit3A_173, %eq3A_174 : i32
    %jit3A_176 = arith.constant 1 : i32
    %select_n3A_177 = arith.select %eq3A_175, %jit3A_176, %jit3A_173 : i32
    %rem3A_178 = vector.broadcast %select_n3A_177 : i32 to vector<64x128xi32>
    %rem3A_179 = arith.remsi %iota3A_171, %rem3A_178 : vector<64x128xi32>
    %ne3A_180 = arith.constant 0 : i32
    %ne3A_181 = vector.broadcast %ne3A_180 : i32 to vector<64x128xi32>
    %ne3A_182 = arith.cmpi ne, %rem3A_179, %ne3A_181 : vector<64x128xi32>
    %lt3A = arith.constant 0 : i32
    %lt3A_183 = vector.broadcast %lt3A : i32 to vector<64x128xi32>
    %lt3A_184 = arith.cmpi slt, %rem3A_179, %lt3A_183 : vector<64x128xi32>
    %lt3A_185 = arith.constant 0 : i32
    %lt3A_186 = arith.cmpi slt, %select_n3A_177, %lt3A_185 : i32
    %ne3A_187 = vector.broadcast %lt3A_186 : i1 to vector<64x128xi1>
    %ne3A_188 = vector.broadcast %ne3A_187 : vector<64x128xi1> to vector<64x128xi1>
    %ne3A_189 = arith.xori %lt3A_184, %ne3A_188 : vector<64x128xi1>
    %and3A_190 = arith.andi %ne3A_189, %ne3A_182 : vector<64x128xi1>
    %add3A_191 = vector.broadcast %select_n3A_177 : i32 to vector<64x128xi32>
    %add3A_192 = arith.addi %rem3A_179, %add3A_191 : vector<64x128xi32>
    %select_n3A_193 = arith.select %and3A_190, %add3A_192, %rem3A_179 : vector<64x128xi1>, vector<64x128xi32>
    %jit3A_194 = arith.constant 16 : i32
    %div3A_195 = vector.broadcast %jit3A_194 : i32 to vector<64x128xi32>
    %div3A_196 = arith.divsi %iota3A_172, %div3A_195 : vector<64x128xi32>
    %sign3A_197 = arith.constant 0 : i32
    %sign3A_198 = vector.broadcast %sign3A_197 : i32 to vector<64x128xi32>
    %sign3A_199 = arith.cmpi sgt, %iota3A_172, %sign3A_198 : vector<64x128xi32>
    %sign3A_200 = arith.extui %sign3A_199 : vector<64x128xi1> to vector<64x128xi32>
    %sign3A_201 = arith.constant 0 : i32
    %sign3A_202 = vector.broadcast %sign3A_201 : i32 to vector<64x128xi32>
    %sign3A_203 = arith.cmpi slt, %iota3A_172, %sign3A_202 : vector<64x128xi32>
    %sign3A_204 = arith.extui %sign3A_203 : vector<64x128xi1> to vector<64x128xi32>
    %sign3A_205 = arith.subi %sign3A_200, %sign3A_204 : vector<64x128xi32>
    %sign3A_206 = arith.constant 0 : i32
    %sign3A_207 = arith.cmpi sgt, %jit3A_194, %sign3A_206 : i32
    %sign3A_208 = arith.extui %sign3A_207 : i1 to i32
    %sign3A_209 = arith.constant 0 : i32
    %sign3A_210 = arith.cmpi slt, %jit3A_194, %sign3A_209 : i32
    %sign3A_211 = arith.extui %sign3A_210 : i1 to i32
    %sign3A_212 = arith.subi %sign3A_208, %sign3A_211 : i32
    %ne3A_213 = vector.broadcast %sign3A_212 : i32 to vector<64x128xi32>
    %ne3A_214 = arith.cmpi ne, %sign3A_205, %ne3A_213 : vector<64x128xi32>
    %rem3A_215 = vector.broadcast %jit3A_194 : i32 to vector<64x128xi32>
    %rem3A_216 = arith.remsi %iota3A_172, %rem3A_215 : vector<64x128xi32>
    %ne3A_217 = arith.constant 0 : i32
    %ne3A_218 = vector.broadcast %ne3A_217 : i32 to vector<64x128xi32>
    %ne3A_219 = arith.cmpi ne, %rem3A_216, %ne3A_218 : vector<64x128xi32>
    %and3A_220 = arith.andi %ne3A_214, %ne3A_219 : vector<64x128xi1>
    %sub3A_221 = arith.constant 1 : i32
    %sub3A_222 = vector.broadcast %sub3A_221 : i32 to vector<64x128xi32>
    %sub3A_223 = arith.subi %div3A_196, %sub3A_222 : vector<64x128xi32>
    %select_n3A_224 = arith.select %and3A_220, %sub3A_223, %div3A_196 : vector<64x128xi1>, vector<64x128xi32>
    %eq3A_225 = arith.cmpi eq, %select_n3A_193, %select_n3A_224 : vector<64x128xi32>
    %jit3A_226 = arith.constant 1.000000e+00 : f32
    %jit3A_227 = arith.constant 0.000000e+00 : f32
    %broadcast_in_dim3A_228 = vector.broadcast %jit3A_226 : f32 to vector<64x128xf32>
    %broadcast_in_dim3A_229 = vector.broadcast %jit3A_227 : f32 to vector<64x128xf32>
    %select_n3A_230 = arith.select %eq3A_225, %broadcast_in_dim3A_228, %broadcast_in_dim3A_229 : vector<64x128xi1>, vector<64x128xf32>
    %dot_general3A_231 = arith.constant dense<0.000000e+00> : vector<8x128xf32>
    %dot_general3A_232 = tpu.matmul %mul3A_170, %select_n3A_230, %dot_general3A_231 {dimension_numbers = #tpu.dot_dimension_numbers<[1], [0], [0], [1], [0, 0, 1, 1], [], []>, transpose_lhs_hint = false} : vector<8x64xf32>, vector<64x128xf32>, vector<8x128xf32> -> vector<8x128xf32>
    %iota3A_233 = tpu.iota {dimensions = array<i32: 1>} : vector<8x128xi32>
    %jit3A_234 = arith.constant 16 : i32
    %eq3A_235 = arith.constant 0 : i32
    %eq3A_236 = arith.cmpi eq, %jit3A_234, %eq3A_235 : i32
    %jit3A_237 = arith.constant 1 : i32
    %select_n3A_238 = arith.select %eq3A_236, %jit3A_237, %jit3A_234 : i32
    %rem3A_239 = vector.broadcast %select_n3A_238 : i32 to vector<8x128xi32>
    %rem3A_240 = arith.remsi %iota3A_233, %rem3A_239 : vector<8x128xi32>
    %ne3A_241 = arith.constant 0 : i32
    %ne3A_242 = vector.broadcast %ne3A_241 : i32 to vector<8x128xi32>
    %ne3A_243 = arith.cmpi ne, %rem3A_240, %ne3A_242 : vector<8x128xi32>
    %lt3A_244 = arith.constant 0 : i32
    %lt3A_245 = vector.broadcast %lt3A_244 : i32 to vector<8x128xi32>
    %lt3A_246 = arith.cmpi slt, %rem3A_240, %lt3A_245 : vector<8x128xi32>
    %lt3A_247 = arith.constant 0 : i32
    %lt3A_248 = arith.cmpi slt, %select_n3A_238, %lt3A_247 : i32
    %ne3A_249 = vector.broadcast %lt3A_248 : i1 to vector<8x128xi1>
    %ne3A_250 = vector.broadcast %ne3A_249 : vector<8x128xi1> to vector<8x128xi1>
    %ne3A_251 = arith.xori %lt3A_246, %ne3A_250 : vector<8x128xi1>
    %and3A_252 = arith.andi %ne3A_251, %ne3A_243 : vector<8x128xi1>
    %add3A_253 = vector.broadcast %select_n3A_238 : i32 to vector<8x128xi32>
    %add3A_254 = arith.addi %rem3A_240, %add3A_253 : vector<8x128xi32>
    %select_n3A_255 = arith.select %and3A_252, %add3A_254, %rem3A_240 : vector<8x128xi1>, vector<8x128xi32>
    %convert_element_type3A_256 = arith.fptosi %dot_general3A_232 : vector<8x128xf32> to vector<8x128xi32>
    %mul3A_257 = arith.constant 16 : i32
    %mul3A_258 = vector.broadcast %mul3A_257 : i32 to vector<8x128xi32>
    %mul3A_259 = arith.muli %convert_element_type3A_256, %mul3A_258 : vector<8x128xi32>
    %add3A_260 = arith.addi %mul3A_259, %select_n3A_255 : vector<8x128xi32>
    %swap3A = arith.constant 0 : index
    %swap3A_261 = arith.constant 0 : index
    %swap3A_262 = vector.load %arg6[%swap3A, %swap3A_261] : memref<1024x1xf32, #tpu.memory_space<vmem>>, vector<1024x1xf32>
    tpu.vector_store %arg6[%swap3A, %swap3A_261], %dot_general3A_129 {strides = array<i32>} : memref<1024x1xf32, #tpu.memory_space<vmem>>, vector<1024x1xf32>,
    %swap3A_263 = arith.constant 0 : index
    %swap3A_264 = arith.constant 0 : index
    %swap3A_265 = vector.load %arg7[%swap3A_263, %swap3A_264] : memref<8x128xi32, #tpu.memory_space<vmem>>, vector<8x128xi32>
    tpu.vector_store %arg7[%swap3A_263, %swap3A_264], %add3A_260 {strides = array<i32>} : memref<8x128xi32, #tpu.memory_space<vmem>>, vector<8x128xi32>,
    %broadcast_in_dim3A_266 = arith.constant 0 : i32
    %broadcast_in_dim3A_267 = vector.broadcast %broadcast_in_dim3A_266 : i32 to vector<1x128xi32>
    %add3A_268 = vector.broadcast %min3A_52 : i32 to vector<1x128xi32>
    %add3A_269 = arith.addi %broadcast_in_dim3A_267, %add3A_268 : vector<1x128xi32>
    %swap3A_270 = arith.constant 0 : index
    %swap3A_271 = arith.constant 0 : index
    %swap3A_272 = vector.load %arg8[%swap3A_270, %swap3A_271] : memref<1x128xi32, #tpu.memory_space<vmem>>, vector<1x128xi32>
    tpu.vector_store %arg8[%swap3A_270, %swap3A_271], %add3A_269 {strides = array<i32>} : memref<1x128xi32, #tpu.memory_space<vmem>>, vector<1x128xi32>,
    %slice3A_273 = vector.extract_strided_slice %while3A_85#2 {offsets = [0, 0], sizes = [1, 1], strides = [1, 1]} : vector<1x64xi32> to vector<1x1xi32>
    %squeeze3A = vector.extract %slice3A_273[0, 0] : i32 from vector<1x1xi32>
    %mul3A_274 = arith.constant 16 : i32
    %mul3A_275 = arith.muli %squeeze3A, %mul3A_274 : i32
    %mul3A_276 = arith.constant 16 : i32
    %mul3A_277 = arith.muli %squeeze3A, %mul3A_276 : i32
    %slice3A_278 = vector.extract_strided_slice %while3A_85#2 {offsets = [0, 1], sizes = [1, 1], strides = [1, 1]} : vector<1x64xi32> to vector<1x1xi32>
    %squeeze3A_279 = vector.extract %slice3A_278[0, 0] : i32 from vector<1x1xi32>
    %mul3A_280 = arith.constant 16 : i32
    %mul3A_281 = arith.muli %squeeze3A_279, %mul3A_280 : i32
    %mul3A_282 = arith.constant 16 : i32
    %mul3A_283 = arith.muli %squeeze3A_279, %mul3A_282 : i32
    %slice3A_284 = vector.extract_strided_slice %while3A_85#2 {offsets = [0, 2], sizes = [1, 1], strides = [1, 1]} : vector<1x64xi32> to vector<1x1xi32>
    %squeeze3A_285 = vector.extract %slice3A_284[0, 0] : i32 from vector<1x1xi32>
    %mul3A_286 = arith.constant 16 : i32
    %mul3A_287 = arith.muli %squeeze3A_285, %mul3A_286 : i32
    %mul3A_288 = arith.constant 16 : i32
    %mul3A_289 = arith.muli %squeeze3A_285, %mul3A_288 : i32
    %slice3A_290 = vector.extract_strided_slice %while3A_85#2 {offsets = [0, 3], sizes = [1, 1], strides = [1, 1]} : vector<1x64xi32> to vector<1x1xi32>
    %squeeze3A_291 = vector.extract %slice3A_290[0, 0] : i32 from vector<1x1xi32>
    %mul3A_292 = arith.constant 16 : i32
    %mul3A_293 = arith.muli %squeeze3A_291, %mul3A_292 : i32
    %mul3A_294 = arith.constant 16 : i32
    %mul3A_295 = arith.muli %squeeze3A_291, %mul3A_294 : i32
    %dma_start3A = arith.constant 0 : i32
    %dma_start3A_296 = arith.constant 0 : i32
    %dma_start3A_297 = tpu.memref_slice %arg9[%dma_start3A, %dma_start3A_296] : memref<64x1024xf32, #tpu.memory_space<vmem>> -> memref<16x1024xf32, #tpu.memory_space<vmem>>
    %dma_start3A_298 = arith.constant 0 : i32
    %dma_start3A_299 = tpu.memref_slice %arg2[%mul3A_275, %dma_start3A_298] : memref<16000x1024xf32, #tpu.memory_space<any>> -> memref<16x1024xf32, #tpu.memory_space<any>>
    tpu.enqueue_dma source(%dma_start3A_299 : memref<16x1024xf32, #tpu.memory_space<any>>) target(%dma_start3A_297 : memref<16x1024xf32, #tpu.memory_space<vmem>>) target_semaphore(%arg11 : memref<!tpu.dma_semaphore, #tpu.memory_space<semaphore_mem>>)
    %dma_start3A_300 = arith.constant 0 : i32
    %dma_start3A_301 = arith.constant 0 : i32
    %dma_start3A_302 = tpu.memref_slice %arg10[%dma_start3A_300, %dma_start3A_301] : memref<64x1024xf32, #tpu.memory_space<vmem>> -> memref<16x1024xf32, #tpu.memory_space<vmem>>
    %dma_start3A_303 = arith.constant 0 : i32
    %dma_start3A_304 = tpu.memref_slice %arg3[%mul3A_277, %dma_start3A_303] : memref<16000x1024xf32, #tpu.memory_space<any>> -> memref<16x1024xf32, #tpu.memory_space<any>>
    tpu.enqueue_dma source(%dma_start3A_304 : memref<16x1024xf32, #tpu.memory_space<any>>) target(%dma_start3A_302 : memref<16x1024xf32, #tpu.memory_space<vmem>>) target_semaphore(%arg11 : memref<!tpu.dma_semaphore, #tpu.memory_space<semaphore_mem>>)
    %dma_start3A_305 = arith.constant 16 : i32
    %dma_start3A_306 = arith.constant 0 : i32
    %dma_start3A_307 = tpu.memref_slice %arg9[%dma_start3A_305, %dma_start3A_306] : memref<64x1024xf32, #tpu.memory_space<vmem>> -> memref<16x1024xf32, #tpu.memory_space<vmem>>
    %dma_start3A_308 = arith.constant 0 : i32
    %dma_start3A_309 = tpu.memref_slice %arg2[%mul3A_281, %dma_start3A_308] : memref<16000x1024xf32, #tpu.memory_space<any>> -> memref<16x1024xf32, #tpu.memory_space<any>>
    tpu.enqueue_dma source(%dma_start3A_309 : memref<16x1024xf32, #tpu.memory_space<any>>) target(%dma_start3A_307 : memref<16x1024xf32, #tpu.memory_space<vmem>>) target_semaphore(%arg11 : memref<!tpu.dma_semaphore, #tpu.memory_space<semaphore_mem>>)
    %dma_start3A_310 = arith.constant 16 : i32
    %dma_start3A_311 = arith.constant 0 : i32
    %dma_start3A_312 = tpu.memref_slice %arg10[%dma_start3A_310, %dma_start3A_311] : memref<64x1024xf32, #tpu.memory_space<vmem>> -> memref<16x1024xf32, #tpu.memory_space<vmem>>
    %dma_start3A_313 = arith.constant 0 : i32
    %dma_start3A_314 = tpu.memref_slice %arg3[%mul3A_283, %dma_start3A_313] : memref<16000x1024xf32, #tpu.memory_space<any>> -> memref<16x1024xf32, #tpu.memory_space<any>>
    tpu.enqueue_dma source(%dma_start3A_314 : memref<16x1024xf32, #tpu.memory_space<any>>) target(%dma_start3A_312 : memref<16x1024xf32, #tpu.memory_space<vmem>>) target_semaphore(%arg11 : memref<!tpu.dma_semaphore, #tpu.memory_space<semaphore_mem>>)
    %dma_start3A_315 = arith.constant 32 : i32
    %dma_start3A_316 = arith.constant 0 : i32
    %dma_start3A_317 = tpu.memref_slice %arg9[%dma_start3A_315, %dma_start3A_316] : memref<64x1024xf32, #tpu.memory_space<vmem>> -> memref<16x1024xf32, #tpu.memory_space<vmem>>
    %dma_start3A_318 = arith.constant 0 : i32
    %dma_start3A_319 = tpu.memref_slice %arg2[%mul3A_287, %dma_start3A_318] : memref<16000x1024xf32, #tpu.memory_space<any>> -> memref<16x1024xf32, #tpu.memory_space<any>>
    tpu.enqueue_dma source(%dma_start3A_319 : memref<16x1024xf32, #tpu.memory_space<any>>) target(%dma_start3A_317 : memref<16x1024xf32, #tpu.memory_space<vmem>>) target_semaphore(%arg11 : memref<!tpu.dma_semaphore, #tpu.memory_space<semaphore_mem>>)
    %dma_start3A_320 = arith.constant 32 : i32
    %dma_start3A_321 = arith.constant 0 : i32
    %dma_start3A_322 = tpu.memref_slice %arg10[%dma_start3A_320, %dma_start3A_321] : memref<64x1024xf32, #tpu.memory_space<vmem>> -> memref<16x1024xf32, #tpu.memory_space<vmem>>
    %dma_start3A_323 = arith.constant 0 : i32
    %dma_start3A_324 = tpu.memref_slice %arg3[%mul3A_289, %dma_start3A_323] : memref<16000x1024xf32, #tpu.memory_space<any>> -> memref<16x1024xf32, #tpu.memory_space<any>>
    tpu.enqueue_dma source(%dma_start3A_324 : memref<16x1024xf32, #tpu.memory_space<any>>) target(%dma_start3A_322 : memref<16x1024xf32, #tpu.memory_space<vmem>>) target_semaphore(%arg11 : memref<!tpu.dma_semaphore, #tpu.memory_space<semaphore_mem>>)
    %dma_start3A_325 = arith.constant 48 : i32
    %dma_start3A_326 = arith.constant 0 : i32
    %dma_start3A_327 = tpu.memref_slice %arg9[%dma_start3A_325, %dma_start3A_326] : memref<64x1024xf32, #tpu.memory_space<vmem>> -> memref<16x1024xf32, #tpu.memory_space<vmem>>
    %dma_start3A_328 = arith.constant 0 : i32
    %dma_start3A_329 = tpu.memref_slice %arg2[%mul3A_293, %dma_start3A_328] : memref<16000x1024xf32, #tpu.memory_space<any>> -> memref<16x1024xf32, #tpu.memory_space<any>>
    tpu.enqueue_dma source(%dma_start3A_329 : memref<16x1024xf32, #tpu.memory_space<any>>) target(%dma_start3A_327 : memref<16x1024xf32, #tpu.memory_space<vmem>>) target_semaphore(%arg11 : memref<!tpu.dma_semaphore, #tpu.memory_space<semaphore_mem>>)
    %dma_start3A_330 = arith.constant 48 : i32
    %dma_start3A_331 = arith.constant 0 : i32
    %dma_start3A_332 = tpu.memref_slice %arg10[%dma_start3A_330, %dma_start3A_331] : memref<64x1024xf32, #tpu.memory_space<vmem>> -> memref<16x1024xf32, #tpu.memory_space<vmem>>
    %dma_start3A_333 = arith.constant 0 : i32
    %dma_start3A_334 = tpu.memref_slice %arg3[%mul3A_295, %dma_start3A_333] : memref<16000x1024xf32, #tpu.memory_space<any>> -> memref<16x1024xf32, #tpu.memory_space<any>>
    tpu.enqueue_dma source(%dma_start3A_334 : memref<16x1024xf32, #tpu.memory_space<any>>) target(%dma_start3A_332 : memref<16x1024xf32, #tpu.memory_space<vmem>>) target_semaphore(%arg11 : memref<!tpu.dma_semaphore, #tpu.memory_space<semaphore_mem>>)
    %dma_wait3A = arith.constant 0 : i32
    %dma_wait3A_335 = arith.constant 0 : i32
    %dma_wait3A_336 = tpu.memref_slice %arg9[%dma_wait3A, %dma_wait3A_335] : memref<64x1024xf32, #tpu.memory_space<vmem>> -> memref<16x1024xf32, #tpu.memory_space<vmem>>
    %dma_wait3A_337 = arith.constant 0 : i32
    %dma_wait3A_338 = tpu.memref_slice %arg2[%mul3A_275, %dma_wait3A_337] : memref<16000x1024xf32, #tpu.memory_space<any>> -> memref<16x1024xf32, #tpu.memory_space<any>>
    tpu.wait_dma2 semaphore(%arg11 : memref<!tpu.dma_semaphore, #tpu.memory_space<semaphore_mem>>) src(%dma_wait3A_338 : memref<16x1024xf32, #tpu.memory_space<any>>) dst(%dma_wait3A_336 : memref<16x1024xf32, #tpu.memory_space<vmem>>)
    %dma_wait3A_339 = arith.constant 0 : i32
    %dma_wait3A_340 = arith.constant 0 : i32
    %dma_wait3A_341 = tpu.memref_slice %arg10[%dma_wait3A_339, %dma_wait3A_340] : memref<64x1024xf32, #tpu.memory_space<vmem>> -> memref<16x1024xf32, #tpu.memory_space<vmem>>
    %dma_wait3A_342 = arith.constant 0 : i32
    %dma_wait3A_343 = tpu.memref_slice %arg3[%mul3A_277, %dma_wait3A_342] : memref<16000x1024xf32, #tpu.memory_space<any>> -> memref<16x1024xf32, #tpu.memory_space<any>>
    tpu.wait_dma2 semaphore(%arg11 : memref<!tpu.dma_semaphore, #tpu.memory_space<semaphore_mem>>) src(%dma_wait3A_343 : memref<16x1024xf32, #tpu.memory_space<any>>) dst(%dma_wait3A_341 : memref<16x1024xf32, #tpu.memory_space<vmem>>)
    %dma_wait3A_344 = arith.constant 16 : i32
    %dma_wait3A_345 = arith.constant 0 : i32
    %dma_wait3A_346 = tpu.memref_slice %arg9[%dma_wait3A_344, %dma_wait3A_345] : memref<64x1024xf32, #tpu.memory_space<vmem>> -> memref<16x1024xf32, #tpu.memory_space<vmem>>
    %dma_wait3A_347 = arith.constant 0 : i32
    %dma_wait3A_348 = tpu.memref_slice %arg2[%mul3A_281, %dma_wait3A_347] : memref<16000x1024xf32, #tpu.memory_space<any>> -> memref<16x1024xf32, #tpu.memory_space<any>>
    tpu.wait_dma2 semaphore(%arg11 : memref<!tpu.dma_semaphore, #tpu.memory_space<semaphore_mem>>) src(%dma_wait3A_348 : memref<16x1024xf32, #tpu.memory_space<any>>) dst(%dma_wait3A_346 : memref<16x1024xf32, #tpu.memory_space<vmem>>)
    %dma_wait3A_349 = arith.constant 16 : i32
    %dma_wait3A_350 = arith.constant 0 : i32
    %dma_wait3A_351 = tpu.memref_slice %arg10[%dma_wait3A_349, %dma_wait3A_350] : memref<64x1024xf32, #tpu.memory_space<vmem>> -> memref<16x1024xf32, #tpu.memory_space<vmem>>
    %dma_wait3A_352 = arith.constant 0 : i32
    %dma_wait3A_353 = tpu.memref_slice %arg3[%mul3A_283, %dma_wait3A_352] : memref<16000x1024xf32, #tpu.memory_space<any>> -> memref<16x1024xf32, #tpu.memory_space<any>>
    tpu.wait_dma2 semaphore(%arg11 : memref<!tpu.dma_semaphore, #tpu.memory_space<semaphore_mem>>) src(%dma_wait3A_353 : memref<16x1024xf32, #tpu.memory_space<any>>) dst(%dma_wait3A_351 : memref<16x1024xf32, #tpu.memory_space<vmem>>)
    %dma_wait3A_354 = arith.constant 32 : i32
    %dma_wait3A_355 = arith.constant 0 : i32
    %dma_wait3A_356 = tpu.memref_slice %arg9[%dma_wait3A_354, %dma_wait3A_355] : memref<64x1024xf32, #tpu.memory_space<vmem>> -> memref<16x1024xf32, #tpu.memory_space<vmem>>
    %dma_wait3A_357 = arith.constant 0 : i32
    %dma_wait3A_358 = tpu.memref_slice %arg2[%mul3A_287, %dma_wait3A_357] : memref<16000x1024xf32, #tpu.memory_space<any>> -> memref<16x1024xf32, #tpu.memory_space<any>>
    tpu.wait_dma2 semaphore(%arg11 : memref<!tpu.dma_semaphore, #tpu.memory_space<semaphore_mem>>) src(%dma_wait3A_358 : memref<16x1024xf32, #tpu.memory_space<any>>) dst(%dma_wait3A_356 : memref<16x1024xf32, #tpu.memory_space<vmem>>)
    %dma_wait3A_359 = arith.constant 32 : i32
    %dma_wait3A_360 = arith.constant 0 : i32
    %dma_wait3A_361 = tpu.memref_slice %arg10[%dma_wait3A_359, %dma_wait3A_360] : memref<64x1024xf32, #tpu.memory_space<vmem>> -> memref<16x1024xf32, #tpu.memory_space<vmem>>
    %dma_wait3A_362 = arith.constant 0 : i32
    %dma_wait3A_363 = tpu.memref_slice %arg3[%mul3A_289, %dma_wait3A_362] : memref<16000x1024xf32, #tpu.memory_space<any>> -> memref<16x1024xf32, #tpu.memory_space<any>>
    tpu.wait_dma2 semaphore(%arg11 : memref<!tpu.dma_semaphore, #tpu.memory_space<semaphore_mem>>) src(%dma_wait3A_363 : memref<16x1024xf32, #tpu.memory_space<any>>) dst(%dma_wait3A_361 : memref<16x1024xf32, #tpu.memory_space<vmem>>)
    %dma_wait3A_364 = arith.constant 48 : i32
    %dma_wait3A_365 = arith.constant 0 : i32
    %dma_wait3A_366 = tpu.memref_slice %arg9[%dma_wait3A_364, %dma_wait3A_365] : memref<64x1024xf32, #tpu.memory_space<vmem>> -> memref<16x1024xf32, #tpu.memory_space<vmem>>
    %dma_wait3A_367 = arith.constant 0 : i32
    %dma_wait3A_368 = tpu.memref_slice %arg2[%mul3A_293, %dma_wait3A_367] : memref<16000x1024xf32, #tpu.memory_space<any>> -> memref<16x1024xf32, #tpu.memory_space<any>>
    tpu.wait_dma2 semaphore(%arg11 : memref<!tpu.dma_semaphore, #tpu.memory_space<semaphore_mem>>) src(%dma_wait3A_368 : memref<16x1024xf32, #tpu.memory_space<any>>) dst(%dma_wait3A_366 : memref<16x1024xf32, #tpu.memory_space<vmem>>)
    %dma_wait3A_369 = arith.constant 48 : i32
    %dma_wait3A_370 = arith.constant 0 : i32
    %dma_wait3A_371 = tpu.memref_slice %arg10[%dma_wait3A_369, %dma_wait3A_370] : memref<64x1024xf32, #tpu.memory_space<vmem>> -> memref<16x1024xf32, #tpu.memory_space<vmem>>
    %dma_wait3A_372 = arith.constant 0 : i32
    %dma_wait3A_373 = tpu.memref_slice %arg3[%mul3A_295, %dma_wait3A_372] : memref<16000x1024xf32, #tpu.memory_space<any>> -> memref<16x1024xf32, #tpu.memory_space<any>>
    tpu.wait_dma2 semaphore(%arg11 : memref<!tpu.dma_semaphore, #tpu.memory_space<semaphore_mem>>) src(%dma_wait3A_373 : memref<16x1024xf32, #tpu.memory_space<any>>) dst(%dma_wait3A_371 : memref<16x1024xf32, #tpu.memory_space<vmem>>)
    %iota3A_374 = tpu.iota {dimensions = array<i32: 0>} : vector<64x1xi32>
    %mul3A_375 = arith.constant 16 : i32
    %mul3A_376 = arith.muli %min3A_52, %mul3A_375 : i32
    %lt3A_377 = vector.broadcast %mul3A_376 : i32 to vector<64x1xi32>
    %lt3A_378 = arith.cmpi slt, %iota3A_374, %lt3A_377 : vector<64x1xi32>
    %slice3A_379 = vector.extract_strided_slice %dot_general3A_129 {offsets = [0, 0], sizes = [64, 1], strides = [1, 1]} : vector<1024x1xf32> to vector<64x1xf32>
    %get3A_380 = arith.constant 0 : index
    %get3A_381 = arith.constant 0 : index
    %get3A_382 = vector.load %arg10[%get3A_380, %get3A_381] : memref<64x1024xf32, #tpu.memory_space<vmem>>, vector<64x1024xf32>
    %mul3A_383 = vector.broadcast %slice3A_379 : vector<64x1xf32> to vector<64x1024xf32>
    %mul3A_384 = arith.mulf %get3A_382, %mul3A_383 : vector<64x1024xf32>
    %jit3A_385 = arith.constant 0.000000e+00 : f32
    %broadcast_in_dim3A_386 = vector.shape_cast %lt3A_378 : vector<64x1xi1> to vector<64x1xi1>
    %broadcast_in_dim3A_387 = vector.broadcast %broadcast_in_dim3A_386 : vector<64x1xi1> to vector<64x1024xi1>
    %broadcast_in_dim3A_388 = vector.broadcast %jit3A_385 : f32 to vector<64x1024xf32>
    %select_n3A_389 = arith.select %broadcast_in_dim3A_387, %mul3A_384, %broadcast_in_dim3A_388 : vector<64x1024xi1>, vector<64x1024xf32>
    %get3A_390 = arith.constant 0 : index
    %get3A_391 = arith.constant 0 : index
    %get3A_392 = vector.load %arg9[%get3A_390, %get3A_391] : memref<64x1024xf32, #tpu.memory_space<vmem>>, vector<64x1024xf32>
    %jit3A_393 = arith.constant 0.000000e+00 : f32
    %broadcast_in_dim3A_394 = vector.shape_cast %lt3A_378 : vector<64x1xi1> to vector<64x1xi1>
    %broadcast_in_dim3A_395 = vector.broadcast %broadcast_in_dim3A_394 : vector<64x1xi1> to vector<64x1024xi1>
    %broadcast_in_dim3A_396 = vector.broadcast %jit3A_393 : f32 to vector<64x1024xf32>
    %select_n3A_397 = arith.select %broadcast_in_dim3A_395, %get3A_392, %broadcast_in_dim3A_396 : vector<64x1024xi1>, vector<64x1024xf32>
    %get3A_398 = arith.constant 0 : index
    %get3A_399 = arith.constant 0 : index
    %get3A_400 = vector.load %arg4[%get3A_398, %get3A_399] : memref<1024x1024xf32, #tpu.memory_space<vmem>>, vector<1024x1024xf32>
    %dot_general3A_401 = arith.constant dense<0.000000e+00> : vector<1024x1024xf32>
    %dot_general3A_402 = tpu.matmul %select_n3A_389, %select_n3A_397, %dot_general3A_401 {dimension_numbers = #tpu.dot_dimension_numbers<[0], [0], [1], [1], [0, 1, 1, 1], [], []>, transpose_lhs_hint = false} : vector<64x1024xf32>, vector<64x1024xf32>, vector<1024x1024xf32> -> vector<1024x1024xf32>
    %add3A_403 = arith.addf %get3A_400, %dot_general3A_402 : vector<1024x1024xf32>
    %swap3A_404 = arith.constant 0 : index
    %swap3A_405 = arith.constant 0 : index
    %swap3A_406 = vector.load %arg5[%swap3A_404, %swap3A_405] : memref<1024x1024xf32, #tpu.memory_space<vmem>>, vector<1024x1024xf32>
    tpu.vector_store %arg5[%swap3A_404, %swap3A_405], %add3A_403 {strides = array<i32>} : memref<1024x1024xf32, #tpu.memory_space<vmem>>, vector<1024x1024xf32>,
    return
  }
}

</mosaic_0001>

<sc_bundles>
// kernel: branch_0_fun.4.cloned.1.call-start
scs
__scs_entry_jumppad:
0x0: {  	(pc) =	sbr.rel $0x88, $3  }
0x1: {  	(tag) =	ssettag $0x0;
	lr =	simm.s32 $0x1  }
0x2: {  	[smem:$0x3F9C] =	sst lr;
	_ =	strace $0xD0000000  }
0x3: {  	_ = 	snop  }
0x4: {  	_ = 	snop  }
0x5: {  	_ = 	snop  }
0x6: {  	_ = 	snop  }
0x7: {  	_ = 	snop  }
__scs_overlays_trampoline_lowered:
0x8: {  	[smem:$0x3FAB] =	sst s0  }
0x9: {  	[smem:$0x3FAC] =	sst s1  }
0xa: {  	[smem:$0x3FAD] =	sst s2  }
0xb: {  	[smem:$0x3FAE] =	sst s3  }
0xc: {  	[smem:$0x3FAF] =	sst s4  }
0xd: {  	[smem:$0x3FB0] =	sst s5  }
0xe: {  	[smem:$0x3FB1] =	sst s6  }
0xf: {  	[smem:$0x3FB2] =	sst s7  }
0x10: {  	[smem:$0x3FB3] =	sst s8  }
0x11: {  	[smem:$0x3FB4] =	sst s9;
	s0 =	simm.s32 @!p0 $0x0  }
0x12: {  	s1 =	sld [smem:$0x3F9A];
	s0 =	simm.s32 @p0 $0x1  }
0x13: {  	[smem:$0x3FB5] =	sst s0;
	s0 =	simm.s32 @!p1 $0x0  }
0x14: {  	s2 =	sld [smem:$0x3F99];
	s0 =	simm.s32 @p1 $0x1  }
0x15: {  	[smem:$0x3FB6] =	sst s0;
	s0 =	simm.s32 @!p2 $0x0  }
0x16: {  	s3 =	sld [smem:$0x3FDB];
	s0 =	simm.s32 @p2 $0x1  }
0x17: {  	s4 =	simm.s32 $0x1BF5;
	[smem:$0x3FB8] =	sst s0  }
0x18: {  	s0 =	sld [smem:$0x3F9B];
	_ =	swait.ge [sflag:s4], $0x0  }
0x19: {  	s7 =	sld [smem:$0x3F9C]  }
0x1a: {  	s8 =	sadd.s32 $0xFFFFE003, lr  }
0x1b: {  	s9 =	sadd.s32 $0xFFFFFEF7, lr;
	s5 =	simm.s32 $0xFFFFFFFF;
	p2 =	slt.u32 s8, $0xFFFFF086  }
0x1c: {  	p1 =	slt.u32 s9, $0xF7A;
	s5 =	simm.s32 @!p2 $0x0  }
0x1d: {  	s5 =	simm.s32 @p1 $0x1;
	p0 =	seq.s32 s7, s2  }
0x1e: {  	s7 =	smul.u32 @!p0 $0xF7A, s2;
	p2 =	seq.s32 @!p0 s5, $0x0  }
0x1f: {  	s9 =	smul.u32 $0xF7A, s1;
	s8 =	simm.s32 @!p0 $0x1BF5;
	p2 =	por !p2, p0  }
0x20: {  	[sflag:s8] =	ssyncset.s32 @!p0 $0xFFFFF086;
	s6 =	sadd.s32 @!p0 s3, s7;
	s7 =	simm.s32 @!p0 $0x108  }
0x21: {  	s3 =	sadd.s32 s3, s9;
	s6 =	sadd.s32 @!p0 $0x88, s6;
	s7 =	simm.s32 @p2 $0x1082  }
0x22: {  	[simem:s7], [sflag:s8] =	dma.local @!p0 [hbm:s6], $0xF7A  }
0x23: {  	s9 =	sor.u32 $0xD0000000, s2;
	s6 =	simm.s32 $0x108;
	_ =	swait.ge @!p0 [sflag:s8], $0x0  }
0x24: {  	s3 =	sadd.s32 $0x88, s3;
	s6 =	simm.s32 @!p1 $0x1082;
	[sflag:s4] =	ssyncset.s32 $0xFFFFF086  }
0x25: {  	[simem:s6], [sflag:s4] =	dma.local [hbm:s3], $0xF7A  }
0x26: {  	[smem:$0x3F9C] =	sst s1;
	(tag) =	ssettag s2;
	_ =	strace s9  }
0x27: {  	s1 =	sld [smem:$0x3FAC]  }
0x28: {  	s2 =	sld [smem:$0x3FAD]  }
0x29: {  	s4 =	sld [smem:$0x3FAF]  }
0x2a: {  	p0 =	seq.s32 s5, $0x0;
	s5 =	sld [smem:$0x3FB0]  }
0x2b: {  	s6 =	sld [smem:$0x3FB1]  }
0x2c: {  	s7 =	sld [smem:$0x3FB2]  }
0x2d: {  	s3 =	simm.s32 $0x108;
	s8 =	sld [smem:$0x3FB3]  }
0x2e: {  	s3 =	simm.s32 @!p0 $0x1082;
	s9 =	sld [smem:$0x3FB4]  }
0x2f: {  	lr =	sadd.s32 s0, s3;
	s0 =	sld [smem:$0x3FAB]  }
0x30: {  	s3 =	sld [smem:$0x3FAE]  }
0x31: {  	[smem:$0x3FB7] =	sst s10  }
0x32: {  	s10 =	sld [smem:$0x3FB5];
	_ =	sdelay $0x3  }
0x33: {  	p0 =	seq.s32 s10, $0x1;
	s10 =	sld [smem:$0x3FB7];
	_ =	sdelay $0x3  }
0x34: {  	[smem:$0x3FB7] =	sst s10  }
0x35: {  	s10 =	sld [smem:$0x3FB6];
	_ =	sdelay $0x3  }
0x36: {  	p1 =	seq.s32 s10, $0x1;
	s10 =	sld [smem:$0x3FB7];
	_ =	sdelay $0x3  }
0x37: {  	[smem:$0x3FB7] =	sst s10  }
0x38: {  	s10 =	sld [smem:$0x3FB8]  }
0x39: {  	_ = 	snop;
	(pc) =	sbr.ind lr, $3  }
0x3a: {  	_ = 	snop  }
0x3b: {  	_ = 	snop  }
0x3c: {  	p2 =	seq.s32 s10, $0x1;
	s10 =	sld [smem:$0x3FB7]  }
0x3d: {  	_ =	shalt  }
0x3e: {  	_ =	shalt  }
0x3f: {  	_ =	shalt  }
0x40: {  	_ =	shalt  }
0x41: {  	_ =	shalt  }
0x42: {  	_ =	shalt  }
0x43: {  	_ =	shalt  }
0x44: {  	_ =	shalt  }
0x45: {  	_ =	shalt  }
0x46: {  	_ =	shalt  }
0x47: {  	_ =	shalt  }
0x48: {  	_ =	shalt  }
0x49: {  	_ =	shalt  }
0x4a: {  	_ =	shalt  }
0x4b: {  	_ =	shalt  }
0x4c: {  	_ =	shalt  }
0x4d: {  	_ =	shalt  }
0x4e: {  	_ =	shalt  }
0x4f: {  	_ =	shalt  }
0x50: {  	_ =	shalt  }
0x51: {  	_ =	shalt  }
0x52: {  	_ =	shalt  }
0x53: {  	_ =	shalt  }
0x54: {  	_ =	shalt  }
0x55: {  	_ =	shalt  }
0x56: {  	_ =	shalt  }
0x57: {  	_ =	shalt  }
0x58: {  	_ =	shalt  }
0x59: {  	_ =	shalt  }
0x5a: {  	_ =	shalt  }
0x5b: {  	_ =	shalt  }
0x5c: {  	_ =	shalt  }
0x5d: {  	_ =	shalt  }
0x5e: {  	_ =	shalt  }
0x5f: {  	_ =	shalt  }
0x60: {  	_ =	shalt  }
0x61: {  	_ =	shalt  }
0x62: {  	_ =	shalt  }
0x63: {  	_ =	shalt  }
0x64: {  	_ =	shalt  }
0x65: {  	_ =	shalt  }
0x66: {  	_ =	shalt  }
0x67: {  	_ =	shalt  }
0x68: {  	_ =	shalt  }
0x69: {  	_ =	shalt  }
0x6a: {  	_ =	shalt  }
0x6b: {  	_ =	shalt  }
0x6c: {  	_ =	shalt  }
0x6d: {  	_ =	shalt  }
0x6e: {  	_ =	shalt  }
0x6f: {  	_ =	shalt  }
0x70: {  	_ =	shalt  }
0x71: {  	_ =	shalt  }
0x72: {  	_ =	shalt  }
0x73: {  	_ =	shalt  }
0x74: {  	_ =	shalt  }
0x75: {  	_ =	shalt  }
0x76: {  	_ =	shalt  }
0x77: {  	_ =	shalt  }
0x78: {  	_ =	shalt  }
0x79: {  	_ =	shalt  }
0x7a: {  	_ =	shalt  }
0x7b: {  	_ =	shalt  }
0x7c: {  	_ =	shalt  }
0x7d: {  	_ =	shalt  }
0x7e: {  	_ =	shalt  }
0x7f: {  	_ =	shalt  }
0x80: {  	_ =	shalt  }
0x81: {  	_ =	shalt  }
0x82: {  	_ =	shalt  }
0x83: {  	_ =	shalt  }
0x84: {  	_ =	shalt  }
0x85: {  	_ =	shalt  }
0x86: {  	_ =	shalt  }
0x87: {  	_ =	shalt  }
.Lfunc_end0:
.L_simem_size_0:
called_computation_lowered:
.L_overlay_start_0:
0x88: {  	s0 =	sld [smem:$0x3FD9]  }
0x89: {  	s1 =	sld [smem:$0x3FFE];
	_ =	sdelay $0x3  }
0x8a: {  	s0 =	sadd.s32 s1, s0  }
0x8b: {  	[smem:$0x3FC3] =	sst s0  }
0x8c: {  	_ = 	snop  }
0x8d: {  	s0 =	sld [smem:$0x3FC7]  }
0x8e: {  	s16 =	sld [smem:$0x3FC6];
	(tm) =	ssettm $0x1  }
0x8f: {  	s2 =	sld [smem:$0x3FFB];
	_ =	sdelay $0x3  }
0x90: {  	_ =	strace s2  }
0x91: {  	s2 =	sld [smem:$0x3FFC];
	_ =	sdelay $0x3  }
0x92: {  	_ =	strace s2  }
0x93: {  	s2 =	sld [smem:$0x3FFD];
	_ =	sdelay $0x3  }
0x94: {  	_ =	strace s2  }
0x95: {  	_ =	strace $0x8FFFFFFF  }
0x96: {  	s17 =	sld [smem:$0x3FDB];
	_ =	sdelay $0x1  }
0x97: {  	s3 =	simm.s32 $_scs_section_size  }
0x98: {  	s4 =	simm.s32 $_size__tile_overlayer_lowered;
	s5 =	simm.s32 $_tile_overlayer_lowered  }
0x99: {  	s20 =	simm.s32 $0x1BFF;
	s19 =	sshll.u32 s5, $0x1;
	s2 =	sadd.s32 s3, s17  }
0x9a: {  	s6 =	simm.s32 $0x0;
	s18 =	sshll.u32 s4, $0x1;
	s4 =	sadd.s32 s19, s2  }
0x9b: {  	[timem:s6], [sflag:s20] =	dma.local [hbm:s4], s18  }
0x9c: {  	_ =	swait.ge [sflag:s20], s18  }
0x9d: {  	s3 =	ssub.s32 $0x0, s18;
	[sflag:s20] =	ssyncset.done $0x0  }
0x9e: {  	[sflag:s20] =	ssyncadd.s32 s3;
	_ =	sdelay $0x1  }
0x9f: {  	s21 =	simm.s32 $0x1B8B  }
0xa0: {  	_ =	swait.ge [sflag:s21], $0x1  }
0xa1: {  	[sflag:s21] =	ssyncset.done $0x0  }
0xa2: {  	s23 =	simm.s32 $0x1B8E;
	s22 =	sld [smem:$0x3FFE];
	[sflag:s21] =	ssyncadd.s32 $0xFFFFFFFF  }
0xa3: {  	s24 =	simm.s32 $execute0_lowered;
	[smem:$0x3FD2] =	sst s23  }
0xa4: {  	s4 =	sshll.u32 s24, $0x1;
	_ =	strace $0x80000046;
	[dreg:$0x1] =	wrdreg $0xFFFFFFFF  }
0xa5: {  	s25 =	simm.s32 $_size_execute0_lowered;
	s2 =	sadd.s32 s2, s4;
	[dreg:$0x0] =	wrdreg $0x0  }
0xa6: {  	s4 =	sshll.u32 s25, $0x1;
	[dreg:$0x2] =	wrdreg s2  }
0xa7: {  	[dreg:$0x3] =	wrdreg s4  }
0xa8: {  	[dreg:$0x4] =	wrdreg $0xC0  }
0xa9: {  	_ =	task [dreg:s6], $0x5FFFF  }
0xaa: {  	[dreg:$0x1] =	wrdreg $0xFFFFFFFF  }
0xab: {  	[dreg:$0x0] =	wrdreg $0x60  }
0xac: {  	[dreg:$0x2] =	wrdreg s0  }
0xad: {  	[dreg:$0x3] =	wrdreg s16  }
0xae: {  	[dreg:$0x4] =	wrdreg s22  }
0xaf: {  	[dreg:$0x5] =	wrdreg $0x9  }
0xb0: {  	_ =	task.clear_ibuf [dreg:s6], $0x6FFFF;
	_ =	strace $0x90000046  }
0xb1: {  	s26 =	simm.s32 $0x9;
	_ =	strace $0x80000048  }
0xb2: {  	_ =	swait.ge [sflag:s26], $0x1  }
0xb3: {  	[sflag:s26] =	ssyncadd.s32 $0xFFFFFFFF  }
0xb4: {  	_ =	strace $0x90000048  }
0xb5: {  	_ =	sfence  }
0xb6: {  	s28 =	sld [smem:$0x0];
	_ =	sdelay $0x1  }
0xb7: {  	s29 =	srdreg.scid  }
0xb8: {  	s30 =	sshll.u32 s29, $0xD;
	s31 =	sshrl.u32 s29, $0x2  }
0xb9: {  	s1 =	sand.u32 $0x1, s29;
	s2 =	sand.u32 $0x4000, s30;
	s0 =	sadd.s32 s31, s28  }
0xba: {  	s1 =	sor.u32 s2, s1;
	s0 =	sshll.u32 s0, $0x11  }
0xbb: {  	s0 =	sor.u32 s0, s1  }
0xbc: {  	s0 =	sadd.s32 $0x8F2B, s0  }
0xbd: {  	[sflag:s0] =	ssyncadd.remote.s32 $0x1  }
0xbe: {  	_ =	sfence.sel $0xFFFF  }
0xbf: {  	[dreg:$0x0] =	wrdreg $0xFFFFFFFF;
	(pc) =	sbr.abs _section_cstart, $3  }
0xc0: {  	[dreg:$0x1] =	wrdreg $0xFFFFFFFF  }
0xc1: {  	_ =	task.clear_ibuf [dreg:s6], $0x2FFFF;
	_ =	strace $0x9FFFFFFF  }
0xc2: {  	(tm) =	ssettm $0x7FFFFFFF  }
0xc3: {  	_ =	shalt  }
tec
execute0_lowered:
.L_overlay_start_1:
0x0: {  	(tag) =	ssettag $0x1  }
0x1: {  	s9 =	rddreg [dreg:$0x0]  }
0x2: {  	s3 =	rddreg [dreg:$0x1]  }
0x3: {  	s2 =	rddreg [dreg:$0x2]  }
0x4: {  	s0 =	rddreg [dreg:$0x3];
	s13 =	simm.s32 $0x0  }
0x5: {  	[smem:$0x7FF] =	sst s13  }
0x6: {  	s15 =	simm.s32 $0x3;
	s1 =	sadd.s32 $0x2000, s2;
	_ =	strace $0x80000047  }
0x7: {  	[tilespmem:s13], [sflag:$0x3] =	stream.linear.gather [hbm4b:s1+s13], $0x10, $0x38;
	[tilespmem:$0x10100] =	vst v63  }
0x8: {  	_ =	swait.ge [sflag:s15], $0x10  }
0x9: {  	[sflag:s15] =	ssyncset.done $0x0  }
0xa: {  	[sflag:s15] =	ssyncadd.s32 $0xFFFFFFF0  }
0xb: {  	v0 =	vld [tilespmem:$0x0];
	_ =	sdelay $0x4  }
0xc: {  	(v2sf) =	vpush v0, $0x0;
	_ =	sdelay $0xe  }
0xd: {  	s1 =	stileid.u32;
	s7 =	spop (v2sf)  }
0xe: {  	s6 =	sshll.u32 s1, $0x6;
	s16 =	sshll.u32 s7, $0x4  }
0xf: {  	p0 =	sge.s32 s6, s16  }
.Ltmp0:
0x10: {  	_ = 	snop;
	(pc) =	sbr.rel @p0 .LBB2_2-.Ltmp0, $4  }
0x11: {  	s14 =	sadd.s32 $0x1C00, s2  }
0x12: {  	s4 =	sadd.s32 $0x2200, s2;
	s2 =	sadd.s32 $0x22200, s2;
	s11 =	sadd.s32 $0x100, s9  }
0x13: {  	s12 =	sadd.s32 $0x200, s9;
	s10 =	sadd.s32 $0x300, s9;
	s8 =	sadd.s32 $0x100, s3  }
0x14: {  	s5 =	sor.u32 $0x20, s6;
	s7 =	sadd.s32 $0x200, s3;
	s6 =	sadd.s32 $0x300, s3  }
0x15: {  	s17 =	sshll.u32 s1, $0x3  }
0x16: {  	s18 =	simm.s32 $0x80;
	s17 =	sadd.s32 s14, s17  }
0x17: {  	[tilespmem:s18], [sflag:$0x3] =	stream.linear.gather [hbm4b:s17+s13], $0x20, $0x38;
	[tilespmem:$0x10100] =	vst v63  }
0x18: {  	_ =	swait.ge [sflag:s15], $0x20  }
0x19: {  	[sflag:s15] =	ssyncset.done $0x0  }
0x1a: {  	[sflag:s15] =	ssyncadd.s32 $0xFFFFFFE0  }
0x1b: {  	v0 =	vld [tilespmem:$0x80];
	_ =	sdelay $0x4  }
0x1c: {  	v1 =	vshll.u32 v0, $0x3  }
0x1d: {  	v2 =	vlaneseq.u32;
	v0 =	vand.u32 $0x7, v0;
	v1 =	vand.u32 $0xFFFFFFC0, v1  }
0x1e: {  	v60 =	vand.u32 $0x7, v2;
	v3 =	vshrl.u32 v2, $0x3;
	v0 =	vor.u32 v0, v1  }
0x1f: {  	v3 =	vmul.u32 $0x8, v3;
	v4 =	vperm.xlane v0, v60;
	_ =	sdelay $0x1  }
0x20: {  	v4 =	vadd.s32 v3, v4;
	_ =	sdelay $0x3  }
0x21: {  	vm0 =	vmmov $0xffff;
	s17 =	simm.s32 $0x100  }
0x22: {  	v2 =	vor.u32 $0x8, v2;
	[tilespmem:s17], [sflag:$0x1] =	stream.indirect_vreg.gather [hbm4b:s9+s13], $0x80, v4, vm0, $0xb8;
	[tilespmem:$0x10100] =	vst v63  }
0x23: {  	s22 =	simm.s32 $0x900;
	v0 =	vperm.xlane v0, v2  }
0x24: {  	[tilespmem:s22], [sflag:$0x1] =	stream.indirect_vreg.gather [hbm4b:s11+s13], $0x80, v4, vm0, $0xb8;
	[tilespmem:$0x10100] =	vst v63  }
0x25: {  	s23 =	simm.s32 $0x1100;
	v0 =	vadd.s32 v3, v0  }
0x26: {  	[tilespmem:s23], [sflag:$0x1] =	stream.indirect_vreg.gather [hbm4b:s12+s13], $0x80, v4, vm0, $0xb8;
	[tilespmem:$0x10100] =	vst v63  }
0x27: {  	s24 =	simm.s32 $0x1900  }
0x28: {  	[tilespmem:s24], [sflag:$0x1] =	stream.indirect_vreg.gather [hbm4b:s10+s13], $0x80, v4, vm0, $0xb8;
	[tilespmem:$0x10100] =	vst v63  }
0x29: {  	s25 =	simm.s32 $0x2100  }
0x2a: {  	[tilespmem:s25], [sflag:$0x1] =	stream.indirect_vreg.gather [hbm4b:s9+s13], $0x80, v0, vm0, $0xb8;
	[tilespmem:$0x10100] =	vst v63  }
0x2b: {  	s26 =	simm.s32 $0x2900  }
0x2c: {  	[tilespmem:s26], [sflag:$0x1] =	stream.indirect_vreg.gather [hbm4b:s11+s13], $0x80, v0, vm0, $0xb8;
	[tilespmem:$0x10100] =	vst v63  }
0x2d: {  	s28 =	simm.s32 $0x3100  }
0x2e: {  	[tilespmem:s28], [sflag:$0x1] =	stream.indirect_vreg.gather [hbm4b:s12+s13], $0x80, v0, vm0, $0xb8;
	[tilespmem:$0x10100] =	vst v63  }
0x2f: {  	s29 =	simm.s32 $0x3900  }
0x30: {  	[tilespmem:s29], [sflag:$0x1] =	stream.indirect_vreg.gather [hbm4b:s10+s13], $0x80, v0, vm0, $0xb8;
	[tilespmem:$0x10100] =	vst v63  }
0x31: {  	v0 =	vld [tilespmem:$0x90];
	_ =	sdelay $0x4  }
0x32: {  	v61 =	vshll.u32 v0, $0x3  }
0x33: {  	v0 =	vand.u32 $0x7, v0;
	v4 =	vand.u32 $0xFFFFFFC0, v61  }
0x34: {  	v0 =	vor.u32 v0, v4  }
0x35: {  	v4 =	vperm.xlane v0, v60;
	_ =	sdelay $0x1  }
0x36: {  	v4 =	vadd.s32 v3, v4;
	_ =	sdelay $0x3  }
0x37: {  	s30 =	simm.s32 $0x4100  }
0x38: {  	[tilespmem:s30], [sflag:$0x1] =	stream.indirect_vreg.gather [hbm4b:s9+s13], $0x80, v4, vm0, $0xb8;
	[tilespmem:$0x10100] =	vst v63  }
0x39: {  	s31 =	simm.s32 $0x4900;
	v0 =	vperm.xlane v0, v2  }
0x3a: {  	[tilespmem:s31], [sflag:$0x1] =	stream.indirect_vreg.gather [hbm4b:s11+s13], $0x80, v4, vm0, $0xb8;
	[tilespmem:$0x10100] =	vst v63  }
0x3b: {  	s19 =	simm.s32 $0x5100;
	v0 =	vadd.s32 v3, v0  }
0x3c: {  	[tilespmem:s19], [sflag:$0x1] =	stream.indirect_vreg.gather [hbm4b:s12+s13], $0x80, v4, vm0, $0xb8;
	[tilespmem:$0x10100] =	vst v63  }
0x3d: {  	s20 =	simm.s32 $0x5900  }
0x3e: {  	[tilespmem:s20], [sflag:$0x1] =	stream.indirect_vreg.gather [hbm4b:s10+s13], $0x80, v4, vm0, $0xb8;
	[tilespmem:$0x10100] =	vst v63  }
0x3f: {  	s21 =	simm.s32 $0x6100  }
0x40: {  	[tilespmem:s21], [sflag:$0x1] =	stream.indirect_vreg.gather [hbm4b:s9+s13], $0x80, v0, vm0, $0xb8;
	[tilespmem:$0x10100] =	vst v63  }
0x41: {  	s22 =	simm.s32 $0x6900  }
0x42: {  	[tilespmem:s22], [sflag:$0x1] =	stream.indirect_vreg.gather [hbm4b:s11+s13], $0x80, v0, vm0, $0xb8;
	[tilespmem:$0x10100] =	vst v63  }
0x43: {  	s23 =	simm.s32 $0x7100  }
0x44: {  	[tilespmem:s23], [sflag:$0x1] =	stream.indirect_vreg.gather [hbm4b:s12+s13], $0x80, v0, vm0, $0xb8;
	[tilespmem:$0x10100] =	vst v63  }
0x45: {  	s24 =	simm.s32 $0x7900  }
0x46: {  	[tilespmem:s24], [sflag:$0x1] =	stream.indirect_vreg.gather [hbm4b:s10+s13], $0x80, v0, vm0, $0xb8;
	[tilespmem:$0x10100] =	vst v63  }
0x47: {  	v0 =	vld [tilespmem:$0x80];
	_ =	sdelay $0x4  }
0x48: {  	v62 =	vshll.u32 v0, $0x3  }
0x49: {  	v0 =	vand.u32 $0x7, v0;
	v4 =	vand.u32 $0xFFFFFFC0, v62  }
0x4a: {  	v0 =	vor.u32 v0, v4  }
0x4b: {  	v4 =	vperm.xlane v0, v60;
	_ =	sdelay $0x1  }
0x4c: {  	v4 =	vadd.s32 v3, v4;
	_ =	sdelay $0x3  }
0x4d: {  	s18 =	simm.s32 $0x8100  }
0x4e: {  	[tilespmem:s18], [sflag:$0x2] =	stream.indirect_vreg.gather [hbm4b:s3+s13], $0x80, v4, vm0, $0xb8;
	[tilespmem:$0x10100] =	vst v63  }
0x4f: {  	s19 =	simm.s32 $0x8900;
	v0 =	vperm.xlane v0, v2  }
0x50: {  	[tilespmem:s19], [sflag:$0x2] =	stream.indirect_vreg.gather [hbm4b:s8+s13], $0x80, v4, vm0, $0xb8;
	[tilespmem:$0x10100] =	vst v63  }
0x51: {  	s25 =	simm.s32 $0x9100;
	v0 =	vadd.s32 v3, v0  }
0x52: {  	[tilespmem:s25], [sflag:$0x2] =	stream.indirect_vreg.gather [hbm4b:s7+s13], $0x80, v4, vm0, $0xb8;
	[tilespmem:$0x10100] =	vst v63  }
0x53: {  	s26 =	simm.s32 $0x9900  }
0x54: {  	[tilespmem:s26], [sflag:$0x2] =	stream.indirect_vreg.gather [hbm4b:s6+s13], $0x80, v4, vm0, $0xb8;
	[tilespmem:$0x10100] =	vst v63  }
0x55: {  	s28 =	simm.s32 $0xA100  }
0x56: {  	[tilespmem:s28], [sflag:$0x2] =	stream.indirect_vreg.gather [hbm4b:s3+s13], $0x80, v0, vm0, $0xb8;
	[tilespmem:$0x10100] =	vst v63  }
0x57: {  	s29 =	simm.s32 $0xA900  }
0x58: {  	[tilespmem:s29], [sflag:$0x2] =	stream.indirect_vreg.gather [hbm4b:s8+s13], $0x80, v0, vm0, $0xb8;
	[tilespmem:$0x10100] =	vst v63  }
0x59: {  	s30 =	simm.s32 $0xB100  }
0x5a: {  	[tilespmem:s30], [sflag:$0x2] =	stream.indirect_vreg.gather [hbm4b:s7+s13], $0x80, v0, vm0, $0xb8;
	[tilespmem:$0x10100] =	vst v63  }
0x5b: {  	s31 =	simm.s32 $0xB900  }
0x5c: {  	[tilespmem:s31], [sflag:$0x2] =	stream.indirect_vreg.gather [hbm4b:s6+s13], $0x80, v0, vm0, $0xb8;
	[tilespmem:$0x10100] =	vst v63  }
0x5d: {  	v0 =	vld [tilespmem:$0x90];
	_ =	sdelay $0x4  }
0x5e: {  	v63 =	vshll.u32 v0, $0x3  }
0x5f: {  	v0 =	vand.u32 $0x7, v0;
	v4 =	vand.u32 $0xFFFFFFC0, v63  }
0x60: {  	v0 =	vor.u32 v0, v4  }
0x61: {  	v1 =	vperm.xlane v0, v60;
	_ =	sdelay $0x1  }
0x62: {  	v1 =	vadd.s32 v3, v1;
	_ =	sdelay $0x3  }
0x63: {  	s20 =	simm.s32 $0xC100  }
0x64: {  	[tilespmem:s20], [sflag:$0x2] =	stream.indirect_vreg.gather [hbm4b:s3+s13], $0x80, v1, vm0, $0xb8;
	[tilespmem:$0x10100] =	vst v63  }
0x65: {  	s21 =	simm.s32 $0xC900;
	v0 =	vperm.xlane v0, v2  }
0x66: {  	[tilespmem:s21], [sflag:$0x2] =	stream.indirect_vreg.gather [hbm4b:s8+s13], $0x80, v1, vm0, $0xb8;
	[tilespmem:$0x10100] =	vst v63  }
0x67: {  	s22 =	simm.s32 $0xD100;
	v0 =	vadd.s32 v3, v0  }
0x68: {  	[tilespmem:s22], [sflag:$0x2] =	stream.indirect_vreg.gather [hbm4b:s7+s13], $0x80, v1, vm0, $0xb8;
	[tilespmem:$0x10100] =	vst v63  }
0x69: {  	s23 =	simm.s32 $0xD900  }
0x6a: {  	[tilespmem:s23], [sflag:$0x2] =	stream.indirect_vreg.gather [hbm4b:s6+s13], $0x80, v1, vm0, $0xb8;
	[tilespmem:$0x10100] =	vst v63  }
0x6b: {  	s24 =	simm.s32 $0xE100  }
0x6c: {  	[tilespmem:s24], [sflag:$0x2] =	stream.indirect_vreg.gather [hbm4b:s3+s13], $0x80, v0, vm0, $0xb8;
	[tilespmem:$0x10100] =	vst v63  }
0x6d: {  	s25 =	simm.s32 $0xE900  }
0x6e: {  	[tilespmem:s25], [sflag:$0x2] =	stream.indirect_vreg.gather [hbm4b:s8+s13], $0x80, v0, vm0, $0xb8;
	[tilespmem:$0x10100] =	vst v63  }
0x6f: {  	s26 =	simm.s32 $0xF100  }
0x70: {  	[tilespmem:s26], [sflag:$0x2] =	stream.indirect_vreg.gather [hbm4b:s7+s13], $0x80, v0, vm0, $0xb8;
	[tilespmem:$0x10100] =	vst v63  }
0x71: {  	s28 =	simm.s32 $0xF900;
	s29 =	simm.s32 $0x1  }
0x72: {  	[tilespmem:s28], [sflag:$0x2] =	stream.indirect_vreg.gather [hbm4b:s6+s13], $0x80, v0, vm0, $0xb8;
	[tilespmem:$0x10100] =	vst v63  }
0x73: {  	_ =	swait.ge [sflag:s29], $0x8000  }
0x74: {  	s20 =	sshll.u32 s1, $0xD;
	[sflag:s29] =	ssyncset.done $0x0  }
0x75: {  	s21 =	sadd.s32 s4, s20;
	[sflag:s29] =	ssyncadd.s32 $0xFFFF8000  }
0x76: {  	[hbm4b:s21+s13] =	stream.linear.scatter [tilespmem:s17], [sflag:$0x3], $0x8000, $0x38;
	[tilespmem:$0x10100] =	vst v63  }
0x77: {  	_ =	swait.ge [sflag:s15], $0x8000  }
0x78: {  	[sflag:s15] =	ssyncset.done $0x0  }
0x79: {  	s30 =	simm.s32 $0x2;
	[sflag:s15] =	ssyncadd.s32 $0xFFFF8000  }
0x7a: {  	_ =	swait.ge [sflag:s30], $0x8000  }
0x7b: {  	[sflag:s30] =	ssyncset.done $0x0  }
0x7c: {  	s31 =	sadd.s32 s2, s20;
	[sflag:s30] =	ssyncadd.s32 $0xFFFF8000  }
0x7d: {  	[hbm4b:s31+s13] =	stream.linear.scatter [tilespmem:s18], [sflag:$0x3], $0x8000, $0x38;
	[tilespmem:$0x10100] =	vst v63  }
0x7e: {  	_ =	swait.ge [sflag:s15], $0x8000  }
0x7f: {  	[sflag:s15] =	ssyncset.done $0x0  }
0x80: {  	[sflag:s15] =	ssyncadd.s32 $0xFFFF8000  }
.LBB2_2:
0x81: {  	p0 =	sge.s32 s5, s16  }
.Ltmp1:
0x82: {  	_ = 	snop;
	(pc) =	sbr.rel @p0 .LBB2_4-.Ltmp1, $1  }
0x83: {  	_ =	sdelay $0x3  }
0x84: {  	s13 =	sshrl.u32 s5, $0x3  }
0x85: {  	s15 =	simm.s32 $0x80;
	s14 =	sadd.s32 s14, s13;
	s13 =	simm.s32 $0x0  }
0x86: {  	[tilespmem:s15], [sflag:$0x3] =	stream.linear.gather [hbm4b:s14+s13], $0x20, $0x38;
	[tilespmem:$0x10100] =	vst v63  }
0x87: {  	s14 =	simm.s32 $0x3  }
0x88: {  	_ =	swait.ge [sflag:s14], $0x20  }
0x89: {  	[sflag:s14] =	ssyncset.done $0x0  }
0x8a: {  	[sflag:s14] =	ssyncadd.s32 $0xFFFFFFE0  }
0x8b: {  	v0 =	vld [tilespmem:$0x80];
	_ =	sdelay $0x4  }
0x8c: {  	v1 =	vshll.u32 v0, $0x3  }
0x8d: {  	v2 =	vlaneseq.u32;
	v0 =	vand.u32 $0x7, v0;
	v1 =	vand.u32 $0xFFFFFFC0, v1  }
0x8e: {  	v60 =	vand.u32 $0x7, v2;
	v3 =	vshrl.u32 v2, $0x3;
	v0 =	vor.u32 v0, v1  }
0x8f: {  	v3 =	vmul.u32 $0x8, v3;
	v4 =	vperm.xlane v0, v60;
	_ =	sdelay $0x1  }
0x90: {  	v4 =	vadd.s32 v3, v4;
	_ =	sdelay $0x3  }
0x91: {  	vm0 =	vmmov $0xffff;
	s15 =	simm.s32 $0x100  }
0x92: {  	v2 =	vor.u32 $0x8, v2;
	[tilespmem:s15], [sflag:$0x1] =	stream.indirect_vreg.gather [hbm4b:s9+s13], $0x80, v4, vm0, $0xb8;
	[tilespmem:$0x10100] =	vst v63  }
0x93: {  	s16 =	simm.s32 $0x900;
	v0 =	vperm.xlane v0, v2  }
0x94: {  	[tilespmem:s16], [sflag:$0x1] =	stream.indirect_vreg.gather [hbm4b:s11+s13], $0x80, v4, vm0, $0xb8;
	[tilespmem:$0x10100] =	vst v63  }
0x95: {  	s31 =	simm.s32 $0x1100;
	v0 =	vadd.s32 v3, v0  }
0x96: {  	[tilespmem:s31], [sflag:$0x1] =	stream.indirect_vreg.gather [hbm4b:s12+s13], $0x80, v4, vm0, $0xb8;
	[tilespmem:$0x10100] =	vst v63  }
0x97: {  	s17 =	simm.s32 $0x1900  }
0x98: {  	[tilespmem:s17], [sflag:$0x1] =	stream.indirect_vreg.gather [hbm4b:s10+s13], $0x80, v4, vm0, $0xb8;
	[tilespmem:$0x10100] =	vst v63  }
0x99: {  	s18 =	simm.s32 $0x2100  }
0x9a: {  	[tilespmem:s18], [sflag:$0x1] =	stream.indirect_vreg.gather [hbm4b:s9+s13], $0x80, v0, vm0, $0xb8;
	[tilespmem:$0x10100] =	vst v63  }
0x9b: {  	s19 =	simm.s32 $0x2900  }
0x9c: {  	[tilespmem:s19], [sflag:$0x1] =	stream.indirect_vreg.gather [hbm4b:s11+s13], $0x80, v0, vm0, $0xb8;
	[tilespmem:$0x10100] =	vst v63  }
0x9d: {  	s20 =	simm.s32 $0x3100  }
0x9e: {  	[tilespmem:s20], [sflag:$0x1] =	stream.indirect_vreg.gather [hbm4b:s12+s13], $0x80, v0, vm0, $0xb8;
	[tilespmem:$0x10100] =	vst v63  }
0x9f: {  	s21 =	simm.s32 $0x3900  }
0xa0: {  	[tilespmem:s21], [sflag:$0x1] =	stream.indirect_vreg.gather [hbm4b:s10+s13], $0x80, v0, vm0, $0xb8;
	[tilespmem:$0x10100] =	vst v63  }
0xa1: {  	v0 =	vld [tilespmem:$0x90];
	_ =	sdelay $0x4  }
0xa2: {  	v61 =	vshll.u32 v0, $0x3  }
0xa3: {  	v0 =	vand.u32 $0x7, v0;
	v4 =	vand.u32 $0xFFFFFFC0, v61  }
0xa4: {  	v0 =	vor.u32 v0, v4  }
0xa5: {  	v4 =	vperm.xlane v0, v60;
	_ =	sdelay $0x1  }
0xa6: {  	v4 =	vadd.s32 v3, v4;
	_ =	sdelay $0x3  }
0xa7: {  	s22 =	simm.s32 $0x4100  }
0xa8: {  	[tilespmem:s22], [sflag:$0x1] =	stream.indirect_vreg.gather [hbm4b:s9+s13], $0x80, v4, vm0, $0xb8;
	[tilespmem:$0x10100] =	vst v63  }
0xa9: {  	s23 =	simm.s32 $0x4900;
	v0 =	vperm.xlane v0, v2  }
0xaa: {  	[tilespmem:s23], [sflag:$0x1] =	stream.indirect_vreg.gather [hbm4b:s11+s13], $0x80, v4, vm0, $0xb8;
	[tilespmem:$0x10100] =	vst v63  }
0xab: {  	s24 =	simm.s32 $0x5100;
	v0 =	vadd.s32 v3, v0  }
0xac: {  	[tilespmem:s24], [sflag:$0x1] =	stream.indirect_vreg.gather [hbm4b:s12+s13], $0x80, v4, vm0, $0xb8;
	[tilespmem:$0x10100] =	vst v63  }
0xad: {  	s25 =	simm.s32 $0x5900  }
0xae: {  	[tilespmem:s25], [sflag:$0x1] =	stream.indirect_vreg.gather [hbm4b:s10+s13], $0x80, v4, vm0, $0xb8;
	[tilespmem:$0x10100] =	vst v63  }
0xaf: {  	s26 =	simm.s32 $0x6100  }
0xb0: {  	[tilespmem:s26], [sflag:$0x1] =	stream.indirect_vreg.gather [hbm4b:s9+s13], $0x80, v0, vm0, $0xb8;
	[tilespmem:$0x10100] =	vst v63  }
0xb1: {  	s28 =	simm.s32 $0x6900  }
0xb2: {  	[tilespmem:s28], [sflag:$0x1] =	stream.indirect_vreg.gather [hbm4b:s11+s13], $0x80, v0, vm0, $0xb8;
	[tilespmem:$0x10100] =	vst v63  }
0xb3: {  	s29 =	simm.s32 $0x7100  }
0xb4: {  	[tilespmem:s29], [sflag:$0x1] =	stream.indirect_vreg.gather [hbm4b:s12+s13], $0x80, v0, vm0, $0xb8;
	[tilespmem:$0x10100] =	vst v63  }
0xb5: {  	s30 =	simm.s32 $0x7900  }
0xb6: {  	[tilespmem:s30], [sflag:$0x1] =	stream.indirect_vreg.gather [hbm4b:s10+s13], $0x80, v0, vm0, $0xb8;
	[tilespmem:$0x10100] =	vst v63  }
0xb7: {  	v0 =	vld [tilespmem:$0x80];
	_ =	sdelay $0x4  }
0xb8: {  	v62 =	vshll.u32 v0, $0x3  }
0xb9: {  	v0 =	vand.u32 $0x7, v0;
	v4 =	vand.u32 $0xFFFFFFC0, v62  }
0xba: {  	v0 =	vor.u32 v0, v4  }
0xbb: {  	v4 =	vperm.xlane v0, v60;
	_ =	sdelay $0x1  }
0xbc: {  	v4 =	vadd.s32 v3, v4;
	_ =	sdelay $0x3  }
0xbd: {  	s9 =	simm.s32 $0x8100  }
0xbe: {  	[tilespmem:s9], [sflag:$0x2] =	stream.indirect_vreg.gather [hbm4b:s3+s13], $0x80, v4, vm0, $0xb8;
	[tilespmem:$0x10100] =	vst v63  }
0xbf: {  	s31 =	simm.s32 $0x8900;
	v0 =	vperm.xlane v0, v2  }
0xc0: {  	[tilespmem:s31], [sflag:$0x2] =	stream.indirect_vreg.gather [hbm4b:s8+s13], $0x80, v4, vm0, $0xb8;
	[tilespmem:$0x10100] =	vst v63  }
0xc1: {  	s11 =	simm.s32 $0x9100;
	v0 =	vadd.s32 v3, v0  }
0xc2: {  	[tilespmem:s11], [sflag:$0x2] =	stream.indirect_vreg.gather [hbm4b:s7+s13], $0x80, v4, vm0, $0xb8;
	[tilespmem:$0x10100] =	vst v63  }
0xc3: {  	s12 =	simm.s32 $0x9900  }
0xc4: {  	[tilespmem:s12], [sflag:$0x2] =	stream.indirect_vreg.gather [hbm4b:s6+s13], $0x80, v4, vm0, $0xb8;
	[tilespmem:$0x10100] =	vst v63  }
0xc5: {  	s16 =	simm.s32 $0xA100  }
0xc6: {  	[tilespmem:s16], [sflag:$0x2] =	stream.indirect_vreg.gather [hbm4b:s3+s13], $0x80, v0, vm0, $0xb8;
	[tilespmem:$0x10100] =	vst v63  }
0xc7: {  	s17 =	simm.s32 $0xA900  }
0xc8: {  	[tilespmem:s17], [sflag:$0x2] =	stream.indirect_vreg.gather [hbm4b:s8+s13], $0x80, v0, vm0, $0xb8;
	[tilespmem:$0x10100] =	vst v63  }
0xc9: {  	s18 =	simm.s32 $0xB100  }
0xca: {  	[tilespmem:s18], [sflag:$0x2] =	stream.indirect_vreg.gather [hbm4b:s7+s13], $0x80, v0, vm0, $0xb8;
	[tilespmem:$0x10100] =	vst v63  }
0xcb: {  	s19 =	simm.s32 $0xB900  }
0xcc: {  	[tilespmem:s19], [sflag:$0x2] =	stream.indirect_vreg.gather [hbm4b:s6+s13], $0x80, v0, vm0, $0xb8;
	[tilespmem:$0x10100] =	vst v63  }
0xcd: {  	v0 =	vld [tilespmem:$0x90];
	_ =	sdelay $0x4  }
0xce: {  	v63 =	vshll.u32 v0, $0x3  }
0xcf: {  	v0 =	vand.u32 $0x7, v0;
	v4 =	vand.u32 $0xFFFFFFC0, v63  }
0xd0: {  	v0 =	vor.u32 v0, v4  }
0xd1: {  	v1 =	vperm.xlane v0, v60;
	_ =	sdelay $0x1  }
0xd2: {  	v1 =	vadd.s32 v3, v1;
	_ =	sdelay $0x3  }
0xd3: {  	s20 =	simm.s32 $0xC100  }
0xd4: {  	[tilespmem:s20], [sflag:$0x2] =	stream.indirect_vreg.gather [hbm4b:s3+s13], $0x80, v1, vm0, $0xb8;
	[tilespmem:$0x10100] =	vst v63  }
0xd5: {  	s21 =	simm.s32 $0xC900;
	v0 =	vperm.xlane v0, v2  }
0xd6: {  	[tilespmem:s21], [sflag:$0x2] =	stream.indirect_vreg.gather [hbm4b:s8+s13], $0x80, v1, vm0, $0xb8;
	[tilespmem:$0x10100] =	vst v63  }
0xd7: {  	s22 =	simm.s32 $0xD100;
	v0 =	vadd.s32 v3, v0  }
0xd8: {  	[tilespmem:s22], [sflag:$0x2] =	stream.indirect_vreg.gather [hbm4b:s7+s13], $0x80, v1, vm0, $0xb8;
	[tilespmem:$0x10100] =	vst v63  }
0xd9: {  	s23 =	simm.s32 $0xD900  }
0xda: {  	[tilespmem:s23], [sflag:$0x2] =	stream.indirect_vreg.gather [hbm4b:s6+s13], $0x80, v1, vm0, $0xb8;
	[tilespmem:$0x10100] =	vst v63  }
0xdb: {  	s24 =	simm.s32 $0xE100  }
0xdc: {  	[tilespmem:s24], [sflag:$0x2] =	stream.indirect_vreg.gather [hbm4b:s3+s13], $0x80, v0, vm0, $0xb8;
	[tilespmem:$0x10100] =	vst v63  }
0xdd: {  	s25 =	simm.s32 $0xE900  }
0xde: {  	[tilespmem:s25], [sflag:$0x2] =	stream.indirect_vreg.gather [hbm4b:s8+s13], $0x80, v0, vm0, $0xb8;
	[tilespmem:$0x10100] =	vst v63  }
0xdf: {  	s26 =	simm.s32 $0xF100  }
0xe0: {  	[tilespmem:s26], [sflag:$0x2] =	stream.indirect_vreg.gather [hbm4b:s7+s13], $0x80, v0, vm0, $0xb8;
	[tilespmem:$0x10100] =	vst v63  }
0xe1: {  	s28 =	simm.s32 $0xF900;
	s29 =	simm.s32 $0x1  }
0xe2: {  	[tilespmem:s28], [sflag:$0x2] =	stream.indirect_vreg.gather [hbm4b:s6+s13], $0x80, v0, vm0, $0xb8;
	[tilespmem:$0x10100] =	vst v63  }
0xe3: {  	_ =	swait.ge [sflag:s29], $0x8000  }
0xe4: {  	s30 =	sshll.u32 s5, $0x7;
	[sflag:s29] =	ssyncset.done $0x0  }
0xe5: {  	s4 =	sadd.s32 s4, s30;
	[sflag:s29] =	ssyncadd.s32 $0xFFFF8000  }
0xe6: {  	[hbm4b:s4+s13] =	stream.linear.scatter [tilespmem:s15], [sflag:$0x3], $0x8000, $0x38;
	[tilespmem:$0x10100] =	vst v63  }
0xe7: {  	_ =	swait.ge [sflag:s14], $0x8000  }
0xe8: {  	[sflag:s14] =	ssyncset.done $0x0  }
0xe9: {  	s31 =	simm.s32 $0x2;
	[sflag:s14] =	ssyncadd.s32 $0xFFFF8000  }
0xea: {  	_ =	swait.ge [sflag:s31], $0x8000  }
0xeb: {  	[sflag:s31] =	ssyncset.done $0x0  }
0xec: {  	s2 =	sadd.s32 s2, s30;
	[sflag:s31] =	ssyncadd.s32 $0xFFFF8000  }
0xed: {  	[hbm4b:s2+s13] =	stream.linear.scatter [tilespmem:s9], [sflag:$0x3], $0x8000, $0x38;
	[tilespmem:$0x10100] =	vst v63  }
0xee: {  	_ =	swait.ge [sflag:s14], $0x8000  }
0xef: {  	[sflag:s14] =	ssyncset.done $0x0  }
0xf0: {  	[sflag:s14] =	ssyncadd.s32 $0xFFFF8000  }
.LBB2_4:
0xf1: {  	_ =	sfence.sel $0x180000  }
0xf2: {  	[bflag:$0x0] =	sbarrier.arrive $0xFFFF  }
0xf3: {  	p0 =	sne.s32 s1, $0x0;
	_ =	strace $0x90000047  }
0xf4: {  	s0 =	sadd.s32 @!p0 $0x100000, s0;
	[bflag:$0x2] =	sbarrier.arrive $0xFFFF  }
0xf5: {  	[sflag:s0] =	ssyncadd.tile.s32 @!p0 $0x1;
	_ =	shalt  }
.Lfunc_end2:
_tile_overlayer_lowered:
.L_overlay_start_2:
0xf6: {  	(tag) =	ssettag $0x2  }
0xf7: {  	s0 =	rddreg [dreg:$0x0];
	s2 =	stileid.u32  }
0xf8: {  	s1 =	rddreg [dreg:$0x1];
	p0 =	sne.s32 s2, $0x0  }
0xf9: {  	s3 =	rddreg [dreg:$0x2];
	[bflag:$0x3] =	sbarrier.arrive $0xFFFF;
	s2 =	simm.s32 @!p0 $0x1C03  }
0xfa: {  	[timem:s3], [sflag:s2] =	dma.local @!p0 [hbm:s0], s1  }
0xfb: {  	s0 =	simm.s32 @!p0 $0x3  }
0xfc: {  	_ =	swait.ge @!p0 [sflag:s0], s1  }
0xfd: {  	s1 =	ssub.s32 @!p0 $0x0, s1;
	[sflag:s0] =	ssyncset.done @!p0 $0x0  }
0xfe: {  	[sflag:s0] =	ssyncadd.s32 @!p0 s1  }
0xff: {  	[bflag:$0x3] =	sbarrier.arrive $0xFFFF  }
0x100: {  	_ =	shalt  }

</sc_bundles>
